<compile_context>
chip_gen: v7x
topology: tpu7x:2x2x1
jax: 0.10.2.dev20260603
libtpu: 0.0.44.dev20260713+nightly
codegen_flags: <defaults>
</compile_context>

<pallas_src>
import functools

import jax
import jax.numpy as jnp
from jax import lax
from jax.experimental import pallas as pl
from jax.experimental.pallas import tpu as pltpu
from jax.experimental.pallas import tpu_sc as plsc

N = 10000
E = 320000
F = 128
D = 9

CH = 11264
PASSES = 4
SC_ROWS = CH * PASSES
G_ROWS = 2 * SC_ROWS
ZROW = N
EPT_P = 20480
E_PAD = 16 * EPT_P
SBLK = 1024
NSBLK = EPT_P // SBLK
GRP = 2
ZPT = CH // 16


def _sc_aggregate(tabz, src, dst, sub):
    mesh = plsc.VectorSubcoreMesh(core_axis_name="c", subcore_axis_name="s")

    @functools.partial(
        pl.kernel,
        out_type=jax.ShapeDtypeStruct((G_ROWS, F), jnp.float32),
        mesh=mesh,
        scratch_types=[
            pltpu.VMEM((SBLK,), jnp.int32),
            pltpu.VMEM((SBLK,), jnp.int32),
            pltpu.VMEM((SBLK,), jnp.int32),
            pltpu.VMEM((8, 128), jnp.int32),
            pltpu.VMEM((SBLK,), jnp.int32),
            pltpu.VMEM((8, 128), jnp.int32),
            pltpu.VMEM((GRP * 128, F), jnp.float32),
            pltpu.VMEM((16, F), jnp.float32),
            pltpu.VMEM_SHARED((CH, F), jnp.float32),
            pltpu.SemaphoreType.DMA,
            pltpu.SemaphoreType.DMA,
        ],
    )
    def body(tab_hbm, src_hbm, dst_hbm, sub_hbm, g_hbm,
             src_b, dst_b, sub_b, g_blk, g_1d, s_blk, rows, zbuf, chunk,
             gsem, ssem):
        c = lax.axis_index("c")
        s = lax.axis_index("s")
        e0 = s * EPT_P
        z0 = s * ZPT

        mz = jnp.zeros((16,), jnp.float32)

        def zrow_it(r, _):
            def zcol_it(k, _):
                zbuf[r, pl.ds(k * 16, 16)] = mz
                return 0
            lax.fori_loop(0, F // 16, zcol_it, 0)
            return 0

        lax.fori_loop(0, 16, zrow_it, 0)

        def pass_body(p, _):
            base = c * SC_ROWS + p * CH

            def zero_it(k, _):
                pltpu.sync_copy(zbuf, chunk.at[pl.ds(z0 + k * 16, 16)])
                return 0

            lax.fori_loop(0, ZPT // 16, zero_it, 0)
            plsc.subcore_barrier()

            def sblk_body(sb, _):
                eb = e0 + sb * SBLK
                pltpu.sync_copy(src_hbm.at[pl.ds(eb, SBLK)], src_b)
                pltpu.sync_copy(dst_hbm.at[pl.ds(eb, SBLK)], dst_b)
                pltpu.sync_copy(sub_hbm.at[pl.ds(eb, SBLK)], sub_b)

                def fill_it(j, _):
                    for u in range(8):
                        o = j * 128 + u * 16
                        gv = src_b[pl.ds(o, 16)]
                        dv = dst_b[pl.ds(o, 16)]
                        sv = sub_b[pl.ds(o, 16)]
                        loc = sv * N + dv - base
                        m = (loc >= 0) & (loc < CH)
                        g_blk[j, pl.ds(u * 16, 16)] = jnp.where(m, gv, ZROW)
                        g_1d[pl.ds(o, 16)] = jnp.where(m, gv, ZROW)
                        s_blk[j, pl.ds(u * 16, 16)] = jnp.where(
                            m, loc, loc & 8191)
                    return 0

                lax.fori_loop(0, 8, fill_it, 0)

                for g in range(8 // GRP):
                    descs = []
                    for j in range(GRP):
                        descs.append(pltpu.async_copy(
                            tab_hbm.at[g_1d.at[pl.ds((g * GRP + j) * 128, 128)]],
                            rows.at[pl.ds(j * 128, 128)], gsem))
                    for d_ in descs:
                        d_.wait()
                    if False:
                        sdescs = []
                        for j in range(GRP):
                            sdescs.append(pltpu.async_copy(
                                rows.at[pl.ds(j * 128, 128)],
                                chunk.at[s_blk.at[g * GRP + j]], ssem, add=False))
                            for sd in sdescs:
                                sd.wait()
                return 0

            lax.fori_loop(0, NSBLK, sblk_body, 0)
            plsc.subcore_barrier()

            pltpu.sync_copy(chunk.at[pl.ds(z0, ZPT)],
                            g_hbm.at[pl.ds(base + z0, ZPT)])
            plsc.subcore_barrier()
            return 0

        lax.fori_loop(0, PASSES, pass_body, 0)

    return body(tabz, src, dst, sub)


def _nf_stage(feature, norm):
    def body(f_ref, n_ref, o_ref):
        o_ref[...] = f_ref[...] * n_ref[...]

    return pl.pallas_call(
        body,
        grid=(10,),
        in_specs=[
            pl.BlockSpec((N // 10, F), lambda i: (i, 0)),
            pl.BlockSpec((N // 10, 1), lambda i: (i, 0)),
        ],
        out_specs=pl.BlockSpec((N // 10, F), lambda i: (i, 0)),
        out_shape=jax.ShapeDtypeStruct((N, F), jnp.float32),
    )(feature, norm)


def _matmul_stage(g3, w, norm):
    rb = N // 10

    def body(g_ref, w_ref, n_ref, o_ref):
        acc = lax.dot_general(
            g_ref[0], w_ref[0], (((1,), (1,)), ((), ())),
            preferred_element_type=jnp.float32)
        o_ref[...] = jnp.maximum(acc * n_ref[...], 0.0)

    return pl.pallas_call(
        body,
        grid=(D, 10),
        in_specs=[
            pl.BlockSpec((1, rb, F), lambda d, i: (d, i, 0)),
            pl.BlockSpec((1, F, F), lambda d, i: (d, 0, 0)),
            pl.BlockSpec((rb, 1), lambda d, i: (i, 0)),
        ],
        out_specs=pl.BlockSpec((rb, F), lambda d, i: (i, d)),
        out_shape=jax.ShapeDtypeStruct((N, D * F), jnp.float32),
    )(g3, w, norm)


def kernel(feature, edge_index, subgraph_idx, norm, W):
    src = edge_index[0]
    dst = edge_index[1]
    nf = _nf_stage(feature, norm)
    tabz = jnp.concatenate([nf, jnp.zeros((8, F), jnp.float32)], axis=0)
    pad_n = EPT_P - E // 16
    src_p = jnp.pad(src.reshape(16, E // 16), ((0, 0), (0, pad_n))).reshape(-1)
    dst_p = jnp.pad(dst.reshape(16, E // 16), ((0, 0), (0, pad_n)),
                    constant_values=2000).reshape(-1)
    sub_p = jnp.pad(subgraph_idx.reshape(16, E // 16), ((0, 0), (0, pad_n)),
                    constant_values=D).reshape(-1)
    gflat = _sc_aggregate(tabz, src_p, dst_p, sub_p)
    g3 = gflat[: D * N].reshape(D, N, F)
    return _matmul_stage(g3, W, norm)

# --- scband reference (transcript-rebuilt; emitter-appended) ---
"""Pipeline reference for scband-geom-gcnsingle-channel-62637803044921 (READ-ONLY COPY).

The authoritative reference and input builder live on the scoring server;
editing this copy changes nothing except your own understanding.
"""

import jax, jax.numpy as jnp
import numpy as np

N = 10000
E = 320000
IN_FEATS = 128
OUT_FEATS = 128
NUM_DIV = 9


def setup_inputs(seed: int = 0) -> dict:
    key = jax.random.key(seed)
    k1, k2, k3, k4, k5 = jax.random.split(key, 5)
    feature = jax.random.normal(k1, (N, IN_FEATS), dtype=jnp.float32)
    edge_index = jax.random.randint(k2, (2, E), 0, N)
    subgraph_idx = jax.random.randint(k3, (E,), 0, NUM_DIV)
    norm = jax.random.uniform(k4, (N, 1), dtype=jnp.float32)
    # Xavier-uniform init for the per-division linear weights (bias=False)
    a = float(np.sqrt(6.0 / (IN_FEATS + OUT_FEATS)))
    W = jax.random.uniform(k5, (NUM_DIV, OUT_FEATS, IN_FEATS), minval=-a, maxval=a, dtype=jnp.float32)
    return {"feature": feature, "edge_index": edge_index, "subgraph_idx": subgraph_idx, "norm": norm, "W": W}


def reference(feature, edge_index, subgraph_idx, norm, W):
    # dropout_prob = 0.0 -> identity (eval-mode faithful)
    h = feature
    src = edge_index[0]
    dst = edge_index[1]
    n_nodes = h.shape[0]
    out_feats = W.shape[1]
    results = []
    for i in range(NUM_DIV):
        # Wh_i = Linear_i(h) * norm  (node-wise)
        Wh = jnp.dot(h, W[i].T) * norm
        # message passing restricted to edges in division i: copy_u + sum reduce
        mask = (subgraph_idx == i).astype(h.dtype)[:, None]
        msg = jnp.take(Wh, src, axis=0) * mask
        h_i = jnp.zeros((n_nodes, out_feats), dtype=h.dtype).at[dst].add(msg)
        results.append(h_i)
    # merge == 'cat'
    h_new = jnp.concatenate(results, axis=-1)
    h_new = h_new * norm
    # activation == relu
    return jax.nn.relu(h_new)

if __name__ == "__main__":
    import jax
    _d = setup_inputs()
    print(jax.jit(kernel)(*tuple(_d.values())))

</pallas_src>

<mosaic_0001>
#map = affine_map<(d0, d1) -> (0, 0)>
#map1 = affine_map<(d0, d1) -> (0)>
module attributes {stable_mosaic.version = 14 : i64} {
  func.func @body(%arg0: i32, %arg1: i32, %arg2: memref<10008x128xf32, #tpu.memory_space<hbm>>, %arg3: memref<327680xi32, #tpu.memory_space<hbm>>, %arg4: memref<327680xi32, #tpu.memory_space<hbm>>, %arg5: memref<327680xi32, #tpu.memory_space<hbm>>, %arg6: memref<90112x128xf32, #tpu.memory_space<hbm>>, %arg7: memref<1024xi32, #tpu.memory_space<vmem>>, %arg8: memref<1024xi32, #tpu.memory_space<vmem>>, %arg9: memref<1024xi32, #tpu.memory_space<vmem>>, %arg10: memref<8x128xi32, #tpu.memory_space<vmem>>, %arg11: memref<1024xi32, #tpu.memory_space<vmem>>, %arg12: memref<8x128xi32, #tpu.memory_space<vmem>>, %arg13: memref<256x128xf32, #tpu.memory_space<vmem>>, %arg14: memref<16x128xf32, #tpu.memory_space<vmem>>, %arg15: memref<11264x128xf32, #tpu.memory_space<vmem_shared>>, %arg16: memref<!tpu.dma_semaphore, #tpu.memory_space<semaphore_mem>>, %arg17: memref<!tpu.dma_semaphore, #tpu.memory_space<semaphore_mem>>) attributes {dimension_semantics = [#tpu.dimension_semantics<core_parallel>, #tpu.dimension_semantics<subcore_parallel>], iteration_bounds = array<i64: 2, 16>, scalar_prefetch = 0 : i64, scratch_operands = 11 : i64, tpu.core_type = #tpu.core_type<sc_vector_subcore>, window_params = [{transform_indices = #map}, {transform_indices = #map1}, {transform_indices = #map1}, {transform_indices = #map1}, {transform_indices = #map}]} {
    %mul3A = arith.constant 20480 : i32
    %mul3A_0 = arith.muli %arg1, %mul3A : i32
    %mul3A_1 = arith.constant 704 : i32
    %mul3A_2 = arith.muli %arg1, %mul3A_1 : i32
    %broadcast_in_dim3A = arith.constant 0.000000e+00 : f32
    %broadcast_in_dim3A_3 = vector.broadcast %broadcast_in_dim3A : f32 to vector<16xf32>
    %scan3A = arith.constant 0 : i32
    %scan3A_4 = arith.constant 0 : i32
    %scan3A_5 = arith.constant 16 : i32
    %scan3A_6 = arith.addi %scan3A_4, %scan3A_5 : i32
    %scan3A_7 = arith.constant 1 : i32
    %scan3A_8 = scf.for %scan3A_17 = %scan3A_4 to %scan3A_6 step %scan3A_7 iter_args(%scan3A_18 = %scan3A) -> (i32)  : i32 {
      %scan3A_19 = arith.constant 0 : i32
      %scan3A_20 = arith.constant 0 : i32
      %scan3A_21 = arith.constant 8 : i32
      %scan3A_22 = arith.addi %scan3A_20, %scan3A_21 : i32
      %scan3A_23 = arith.constant 1 : i32
      %scan3A_24 = scf.for %scan3A_27 = %scan3A_20 to %scan3A_22 step %scan3A_23 iter_args(%scan3A_28 = %scan3A_19) -> (i32)  : i32 {
        %mul3A_29 = arith.constant 16 : i32
        %mul3A_30 = arith.muli %scan3A_27, %mul3A_29 : i32
        %swap3A = arith.index_cast %scan3A_17 : i32 to index
        %swap3A_31 = arith.index_cast %mul3A_30 : i32 to index
        %swap3A_32 = tpu.vector_load %arg14[%swap3A, %swap3A_31] {strides = array<i32>} : memref<16x128xf32, #tpu.memory_space<vmem>>, vector<1x16xf32>,
        %swap3A_33 = vector.shape_cast %swap3A_32 : vector<1x16xf32> to vector<16xf32>
        %swap3A_34 = vector.shape_cast %broadcast_in_dim3A_3 : vector<16xf32> to vector<1x16xf32>
        tpu.vector_store %arg14[%swap3A, %swap3A_31], %swap3A_34 {strides = array<i32>} : memref<16x128xf32, #tpu.memory_space<vmem>>, vector<1x16xf32>,
        %scan3A_35 = arith.constant 0 : i32
        scf.yield %scan3A_35 : i32
      }
      %scan3A_25 = arith.constant 8 : i32
      %scan3A_26 = arith.constant 0 : i32
      scf.yield %scan3A_26 : i32
    }
    %scan3A_9 = arith.constant 16 : i32
    %scan3A_10 = arith.constant 0 : i32
    %scan3A_11 = arith.constant 0 : i32
    %scan3A_12 = arith.constant 4 : i32
    %scan3A_13 = arith.addi %scan3A_11, %scan3A_12 : i32
    %scan3A_14 = arith.constant 1 : i32
    %scan3A_15 = scf.for %scan3A_17 = %scan3A_11 to %scan3A_13 step %scan3A_14 iter_args(%scan3A_18 = %scan3A_10) -> (i32)  : i32 {
      %mul3A_19 = arith.constant 45056 : i32
      %mul3A_20 = arith.muli %arg0, %mul3A_19 : i32
      %mul3A_21 = arith.constant 11264 : i32
      %mul3A_22 = arith.muli %scan3A_17, %mul3A_21 : i32
      %add3A = arith.addi %mul3A_20, %mul3A_22 : i32
      %scan3A_23 = arith.constant 0 : i32
      %scan3A_24 = arith.constant 0 : i32
      %scan3A_25 = arith.constant 44 : i32
      %scan3A_26 = arith.addi %scan3A_24, %scan3A_25 : i32
      %scan3A_27 = arith.constant 1 : i32
      %scan3A_28 = scf.for %scan3A_41 = %scan3A_24 to %scan3A_26 step %scan3A_27 iter_args(%scan3A_42 = %scan3A_23) -> (i32)  : i32 {
        %mul3A_43 = arith.constant 16 : i32
        %mul3A_44 = arith.muli %scan3A_41, %mul3A_43 : i32
        %add3A_45 = arith.addi %mul3A_2, %mul3A_44 : i32
        "tpu.region"() ({
          %run_scoped3A = tpu.sem_alloc : memref<!tpu.dma_semaphore, #tpu.memory_space<semaphore_mem>>
          %dma_start3A = arith.constant 0 : i32
          %dma_start3A_47 = tpu.memref_slice %arg15[%add3A_45, %dma_start3A] : memref<11264x128xf32, #tpu.memory_space<vmem_shared>> -> memref<16x128xf32, #tpu.memory_space<vmem_shared>>
          %dma_start3A_48 = arith.constant 0 : i32
          %dma_start3A_49 = tpu.memref_slice %arg15[%add3A_45, %dma_start3A_48] : memref<11264x128xf32, #tpu.memory_space<vmem_shared>> -> memref<16x128xf32, #tpu.memory_space<vmem_shared>>
          tpu.enqueue_dma source(%arg14 : memref<16x128xf32, #tpu.memory_space<vmem>>) target(%dma_start3A_49 : memref<16x128xf32, #tpu.memory_space<vmem_shared>>) target_semaphore(%run_scoped3A : memref<!tpu.dma_semaphore, #tpu.memory_space<semaphore_mem>>)
          %dma_wait3A = arith.constant 0 : i32
          %dma_wait3A_50 = tpu.memref_slice %arg15[%add3A_45, %dma_wait3A] : memref<11264x128xf32, #tpu.memory_space<vmem_shared>> -> memref<16x128xf32, #tpu.memory_space<vmem_shared>>
          %dma_wait3A_51 = arith.constant 0 : i32
          %dma_wait3A_52 = tpu.memref_slice %arg15[%add3A_45, %dma_wait3A_51] : memref<11264x128xf32, #tpu.memory_space<vmem_shared>> -> memref<16x128xf32, #tpu.memory_space<vmem_shared>>
          tpu.wait_dma2 semaphore(%run_scoped3A : memref<!tpu.dma_semaphore, #tpu.memory_space<semaphore_mem>>) src(%arg14 : memref<16x128xf32, #tpu.memory_space<vmem>>) dst(%dma_wait3A_52 : memref<16x128xf32, #tpu.memory_space<vmem_shared>>)
          tpu.yield
        }) : () -> ()
        %scan3A_46 = arith.constant 0 : i32
        scf.yield %scan3A_46 : i32
      }
      %scan3A_29 = arith.constant 44 : i32
      %barrier3A = arith.constant 0 : index
      tpu.barrier barrier_id(%barrier3A)
      %scan3A_30 = arith.constant 0 : i32
      %scan3A_31 = arith.constant 0 : i32
      %scan3A_32 = arith.constant 20 : i32
      %scan3A_33 = arith.addi %scan3A_31, %scan3A_32 : i32
      %scan3A_34 = arith.constant 1 : i32
      %scan3A_35 = scf.for %scan3A_41 = %scan3A_31 to %scan3A_33 step %scan3A_34 iter_args(%scan3A_42 = %scan3A_30) -> (i32)  : i32 {
        %mul3A_43 = arith.constant 1024 : i32
        %mul3A_44 = arith.muli %scan3A_41, %mul3A_43 : i32
        %add3A_45 = arith.addi %mul3A_0, %mul3A_44 : i32
        "tpu.region"() ({
          %run_scoped3A = tpu.sem_alloc : memref<!tpu.dma_semaphore, #tpu.memory_space<semaphore_mem>>
          %dma_start3A_180 = tpu.memref_slice %arg3[%add3A_45] : memref<327680xi32, #tpu.memory_space<hbm>> -> memref<1024xi32, #tpu.memory_space<hbm>>
          %dma_start3A_181 = tpu.memref_slice %arg3[%add3A_45] : memref<327680xi32, #tpu.memory_space<hbm>> -> memref<1024xi32, #tpu.memory_space<hbm>>
          tpu.enqueue_dma source(%dma_start3A_181 : memref<1024xi32, #tpu.memory_space<hbm>>) target(%arg7 : memref<1024xi32, #tpu.memory_space<vmem>>) target_semaphore(%run_scoped3A : memref<!tpu.dma_semaphore, #tpu.memory_space<semaphore_mem>>)
          %dma_wait3A_182 = tpu.memref_slice %arg3[%add3A_45] : memref<327680xi32, #tpu.memory_space<hbm>> -> memref<1024xi32, #tpu.memory_space<hbm>>
          %dma_wait3A_183 = tpu.memref_slice %arg3[%add3A_45] : memref<327680xi32, #tpu.memory_space<hbm>> -> memref<1024xi32, #tpu.memory_space<hbm>>
          tpu.wait_dma2 semaphore(%run_scoped3A : memref<!tpu.dma_semaphore, #tpu.memory_space<semaphore_mem>>) src(%dma_wait3A_183 : memref<1024xi32, #tpu.memory_space<hbm>>) dst(%arg7 : memref<1024xi32, #tpu.memory_space<vmem>>)
          tpu.yield
        }) : () -> ()
        "tpu.region"() ({
          %run_scoped3A = tpu.sem_alloc : memref<!tpu.dma_semaphore, #tpu.memory_space<semaphore_mem>>
          %dma_start3A_180 = tpu.memref_slice %arg4[%add3A_45] : memref<327680xi32, #tpu.memory_space<hbm>> -> memref<1024xi32, #tpu.memory_space<hbm>>
          %dma_start3A_181 = tpu.memref_slice %arg4[%add3A_45] : memref<327680xi32, #tpu.memory_space<hbm>> -> memref<1024xi32, #tpu.memory_space<hbm>>
          tpu.enqueue_dma source(%dma_start3A_181 : memref<1024xi32, #tpu.memory_space<hbm>>) target(%arg8 : memref<1024xi32, #tpu.memory_space<vmem>>) target_semaphore(%run_scoped3A : memref<!tpu.dma_semaphore, #tpu.memory_space<semaphore_mem>>)
          %dma_wait3A_182 = tpu.memref_slice %arg4[%add3A_45] : memref<327680xi32, #tpu.memory_space<hbm>> -> memref<1024xi32, #tpu.memory_space<hbm>>
          %dma_wait3A_183 = tpu.memref_slice %arg4[%add3A_45] : memref<327680xi32, #tpu.memory_space<hbm>> -> memref<1024xi32, #tpu.memory_space<hbm>>
          tpu.wait_dma2 semaphore(%run_scoped3A : memref<!tpu.dma_semaphore, #tpu.memory_space<semaphore_mem>>) src(%dma_wait3A_183 : memref<1024xi32, #tpu.memory_space<hbm>>) dst(%arg8 : memref<1024xi32, #tpu.memory_space<vmem>>)
          tpu.yield
        }) : () -> ()
        "tpu.region"() ({
          %run_scoped3A = tpu.sem_alloc : memref<!tpu.dma_semaphore, #tpu.memory_space<semaphore_mem>>
          %dma_start3A_180 = tpu.memref_slice %arg5[%add3A_45] : memref<327680xi32, #tpu.memory_space<hbm>> -> memref<1024xi32, #tpu.memory_space<hbm>>
          %dma_start3A_181 = tpu.memref_slice %arg5[%add3A_45] : memref<327680xi32, #tpu.memory_space<hbm>> -> memref<1024xi32, #tpu.memory_space<hbm>>
          tpu.enqueue_dma source(%dma_start3A_181 : memref<1024xi32, #tpu.memory_space<hbm>>) target(%arg9 : memref<1024xi32, #tpu.memory_space<vmem>>) target_semaphore(%run_scoped3A : memref<!tpu.dma_semaphore, #tpu.memory_space<semaphore_mem>>)
          %dma_wait3A_182 = tpu.memref_slice %arg5[%add3A_45] : memref<327680xi32, #tpu.memory_space<hbm>> -> memref<1024xi32, #tpu.memory_space<hbm>>
          %dma_wait3A_183 = tpu.memref_slice %arg5[%add3A_45] : memref<327680xi32, #tpu.memory_space<hbm>> -> memref<1024xi32, #tpu.memory_space<hbm>>
          tpu.wait_dma2 semaphore(%run_scoped3A : memref<!tpu.dma_semaphore, #tpu.memory_space<semaphore_mem>>) src(%dma_wait3A_183 : memref<1024xi32, #tpu.memory_space<hbm>>) dst(%arg9 : memref<1024xi32, #tpu.memory_space<vmem>>)
          tpu.yield
        }) : () -> ()
        %scan3A_46 = arith.constant 0 : i32
        %scan3A_47 = arith.constant 0 : i32
        %scan3A_48 = arith.constant 8 : i32
        %scan3A_49 = arith.addi %scan3A_47, %scan3A_48 : i32
        %scan3A_50 = arith.constant 1 : i32
        %scan3A_51 = scf.for %scan3A_180 = %scan3A_47 to %scan3A_49 step %scan3A_50 iter_args(%scan3A_181 = %scan3A_46) -> (i32)  : i32 {
          %mul3A_182 = arith.constant 128 : i32
          %mul3A_183 = arith.muli %scan3A_180, %mul3A_182 : i32
          %add3A_184 = arith.constant 0 : i32
          %add3A_185 = arith.addi %mul3A_183, %add3A_184 : i32
          %get3A = arith.index_cast %add3A_185 : i32 to index
          %get3A_186 = tpu.vector_load %arg7[%get3A] {strides = array<i32>} : memref<1024xi32, #tpu.memory_space<vmem>>, vector<16xi32>,
          %get3A_187 = vector.shape_cast %get3A_186 : vector<16xi32> to vector<16xi32>
          %get3A_188 = arith.index_cast %add3A_185 : i32 to index
          %get3A_189 = tpu.vector_load %arg8[%get3A_188] {strides = array<i32>} : memref<1024xi32, #tpu.memory_space<vmem>>, vector<16xi32>,
          %get3A_190 = vector.shape_cast %get3A_189 : vector<16xi32> to vector<16xi32>
          %get3A_191 = arith.index_cast %add3A_185 : i32 to index
          %get3A_192 = tpu.vector_load %arg9[%get3A_191] {strides = array<i32>} : memref<1024xi32, #tpu.memory_space<vmem>>, vector<16xi32>,
          %get3A_193 = vector.shape_cast %get3A_192 : vector<16xi32> to vector<16xi32>
          %mul3A_194 = arith.constant 10000 : i32
          %mul3A_195 = vector.broadcast %mul3A_194 : i32 to vector<16xi32>
          %mul3A_196 = arith.muli %get3A_193, %mul3A_195 : vector<16xi32>
          %add3A_197 = arith.addi %mul3A_196, %get3A_190 : vector<16xi32>
          %sub3A = vector.broadcast %add3A : i32 to vector<16xi32>
          %sub3A_198 = arith.subi %add3A_197, %sub3A : vector<16xi32>
          %ge3A = arith.constant 0 : i32
          %ge3A_199 = vector.broadcast %ge3A : i32 to vector<16xi32>
          %ge3A_200 = arith.cmpi sge, %sub3A_198, %ge3A_199 : vector<16xi32>
          %lt3A = arith.constant 11264 : i32
          %lt3A_201 = vector.broadcast %lt3A : i32 to vector<16xi32>
          %lt3A_202 = arith.cmpi slt, %sub3A_198, %lt3A_201 : vector<16xi32>
          %and3A = arith.andi %ge3A_200, %lt3A_202 : vector<16xi1>
          %jit3A = arith.constant 10000 : i32
          %broadcast_in_dim3A_203 = vector.broadcast %jit3A : i32 to vector<16xi32>
          %select_n3A = arith.select %and3A, %get3A_187, %broadcast_in_dim3A_203 : vector<16xi1>, vector<16xi32>
          %swap3A = arith.index_cast %scan3A_180 : i32 to index
          %swap3A_204 = arith.constant 0 : index
          %swap3A_205 = tpu.vector_load %arg10[%swap3A, %swap3A_204] {strides = array<i32>} : memref<8x128xi32, #tpu.memory_space<vmem>>, vector<1x16xi32>,
          %swap3A_206 = vector.shape_cast %swap3A_205 : vector<1x16xi32> to vector<16xi32>
          %swap3A_207 = vector.shape_cast %select_n3A : vector<16xi32> to vector<1x16xi32>
          tpu.vector_store %arg10[%swap3A, %swap3A_204], %swap3A_207 {strides = array<i32>} : memref<8x128xi32, #tpu.memory_space<vmem>>, vector<1x16xi32>,
          %jit3A_208 = arith.constant 10000 : i32
          %broadcast_in_dim3A_209 = vector.broadcast %jit3A_208 : i32 to vector<16xi32>
          %select_n3A_210 = arith.select %and3A, %get3A_187, %broadcast_in_dim3A_209 : vector<16xi1>, vector<16xi32>
          %swap3A_211 = arith.index_cast %add3A_185 : i32 to index
          %swap3A_212 = tpu.vector_load %arg11[%swap3A_211] {strides = array<i32>} : memref<1024xi32, #tpu.memory_space<vmem>>, vector<16xi32>,
          %swap3A_213 = vector.shape_cast %swap3A_212 : vector<16xi32> to vector<16xi32>
          %swap3A_214 = vector.shape_cast %select_n3A_210 : vector<16xi32> to vector<16xi32>
          tpu.vector_store %arg11[%swap3A_211], %swap3A_214 {strides = array<i32>} : memref<1024xi32, #tpu.memory_space<vmem>>, vector<16xi32>,
          %and3A_215 = arith.constant 8191 : i32
          %and3A_216 = vector.broadcast %and3A_215 : i32 to vector<16xi32>
          %and3A_217 = arith.andi %sub3A_198, %and3A_216 : vector<16xi32>
          %select_n3A_218 = arith.select %and3A, %sub3A_198, %and3A_217 : vector<16xi1>, vector<16xi32>
          %swap3A_219 = arith.index_cast %scan3A_180 : i32 to index
          %swap3A_220 = arith.constant 0 : index
          %swap3A_221 = tpu.vector_load %arg12[%swap3A_219, %swap3A_220] {strides = array<i32>} : memref<8x128xi32, #tpu.memory_space<vmem>>, vector<1x16xi32>,
          %swap3A_222 = vector.shape_cast %swap3A_221 : vector<1x16xi32> to vector<16xi32>
          %swap3A_223 = vector.shape_cast %select_n3A_218 : vector<16xi32> to vector<1x16xi32>
          tpu.vector_store %arg12[%swap3A_219, %swap3A_220], %swap3A_223 {strides = array<i32>} : memref<8x128xi32, #tpu.memory_space<vmem>>, vector<1x16xi32>,
          %mul3A_224 = arith.constant 128 : i32
          %mul3A_225 = arith.muli %scan3A_180, %mul3A_224 : i32
          %add3A_226 = arith.constant 16 : i32
          %add3A_227 = arith.addi %mul3A_225, %add3A_226 : i32
          %get3A_228 = arith.index_cast %add3A_227 : i32 to index
          %get3A_229 = tpu.vector_load %arg7[%get3A_228] {strides = array<i32>} : memref<1024xi32, #tpu.memory_space<vmem>>, vector<16xi32>,
          %get3A_230 = vector.shape_cast %get3A_229 : vector<16xi32> to vector<16xi32>
          %get3A_231 = arith.index_cast %add3A_227 : i32 to index
          %get3A_232 = tpu.vector_load %arg8[%get3A_231] {strides = array<i32>} : memref<1024xi32, #tpu.memory_space<vmem>>, vector<16xi32>,
          %get3A_233 = vector.shape_cast %get3A_232 : vector<16xi32> to vector<16xi32>
          %get3A_234 = arith.index_cast %add3A_227 : i32 to index
          %get3A_235 = tpu.vector_load %arg9[%get3A_234] {strides = array<i32>} : memref<1024xi32, #tpu.memory_space<vmem>>, vector<16xi32>,
          %get3A_236 = vector.shape_cast %get3A_235 : vector<16xi32> to vector<16xi32>
          %mul3A_237 = arith.constant 10000 : i32
          %mul3A_238 = vector.broadcast %mul3A_237 : i32 to vector<16xi32>
          %mul3A_239 = arith.muli %get3A_236, %mul3A_238 : vector<16xi32>
          %add3A_240 = arith.addi %mul3A_239, %get3A_233 : vector<16xi32>
          %sub3A_241 = vector.broadcast %add3A : i32 to vector<16xi32>
          %sub3A_242 = arith.subi %add3A_240, %sub3A_241 : vector<16xi32>
          %ge3A_243 = arith.constant 0 : i32
          %ge3A_244 = vector.broadcast %ge3A_243 : i32 to vector<16xi32>
          %ge3A_245 = arith.cmpi sge, %sub3A_242, %ge3A_244 : vector<16xi32>
          %lt3A_246 = arith.constant 11264 : i32
          %lt3A_247 = vector.broadcast %lt3A_246 : i32 to vector<16xi32>
          %lt3A_248 = arith.cmpi slt, %sub3A_242, %lt3A_247 : vector<16xi32>
          %and3A_249 = arith.andi %ge3A_245, %lt3A_248 : vector<16xi1>
          %jit3A_250 = arith.constant 10000 : i32
          %broadcast_in_dim3A_251 = vector.broadcast %jit3A_250 : i32 to vector<16xi32>
          %select_n3A_252 = arith.select %and3A_249, %get3A_230, %broadcast_in_dim3A_251 : vector<16xi1>, vector<16xi32>
          %swap3A_253 = arith.index_cast %scan3A_180 : i32 to index
          %swap3A_254 = arith.constant 16 : index
          %swap3A_255 = tpu.vector_load %arg10[%swap3A_253, %swap3A_254] {strides = array<i32>} : memref<8x128xi32, #tpu.memory_space<vmem>>, vector<1x16xi32>,
          %swap3A_256 = vector.shape_cast %swap3A_255 : vector<1x16xi32> to vector<16xi32>
          %swap3A_257 = vector.shape_cast %select_n3A_252 : vector<16xi32> to vector<1x16xi32>
          tpu.vector_store %arg10[%swap3A_253, %swap3A_254], %swap3A_257 {strides = array<i32>} : memref<8x128xi32, #tpu.memory_space<vmem>>, vector<1x16xi32>,
          %jit3A_258 = arith.constant 10000 : i32
          %broadcast_in_dim3A_259 = vector.broadcast %jit3A_258 : i32 to vector<16xi32>
          %select_n3A_260 = arith.select %and3A_249, %get3A_230, %broadcast_in_dim3A_259 : vector<16xi1>, vector<16xi32>
          %swap3A_261 = arith.index_cast %add3A_227 : i32 to index
          %swap3A_262 = tpu.vector_load %arg11[%swap3A_261] {strides = array<i32>} : memref<1024xi32, #tpu.memory_space<vmem>>, vector<16xi32>,
          %swap3A_263 = vector.shape_cast %swap3A_262 : vector<16xi32> to vector<16xi32>
          %swap3A_264 = vector.shape_cast %select_n3A_260 : vector<16xi32> to vector<16xi32>
          tpu.vector_store %arg11[%swap3A_261], %swap3A_264 {strides = array<i32>} : memref<1024xi32, #tpu.memory_space<vmem>>, vector<16xi32>,
          %and3A_265 = arith.constant 8191 : i32
          %and3A_266 = vector.broadcast %and3A_265 : i32 to vector<16xi32>
          %and3A_267 = arith.andi %sub3A_242, %and3A_266 : vector<16xi32>
          %select_n3A_268 = arith.select %and3A_249, %sub3A_242, %and3A_267 : vector<16xi1>, vector<16xi32>
          %swap3A_269 = arith.index_cast %scan3A_180 : i32 to index
          %swap3A_270 = arith.constant 16 : index
          %swap3A_271 = tpu.vector_load %arg12[%swap3A_269, %swap3A_270] {strides = array<i32>} : memref<8x128xi32, #tpu.memory_space<vmem>>, vector<1x16xi32>,
          %swap3A_272 = vector.shape_cast %swap3A_271 : vector<1x16xi32> to vector<16xi32>
          %swap3A_273 = vector.shape_cast %select_n3A_268 : vector<16xi32> to vector<1x16xi32>
          tpu.vector_store %arg12[%swap3A_269, %swap3A_270], %swap3A_273 {strides = array<i32>} : memref<8x128xi32, #tpu.memory_space<vmem>>, vector<1x16xi32>,
          %mul3A_274 = arith.constant 128 : i32
          %mul3A_275 = arith.muli %scan3A_180, %mul3A_274 : i32
          %add3A_276 = arith.constant 32 : i32
          %add3A_277 = arith.addi %mul3A_275, %add3A_276 : i32
          %get3A_278 = arith.index_cast %add3A_277 : i32 to index
          %get3A_279 = tpu.vector_load %arg7[%get3A_278] {strides = array<i32>} : memref<1024xi32, #tpu.memory_space<vmem>>, vector<16xi32>,
          %get3A_280 = vector.shape_cast %get3A_279 : vector<16xi32> to vector<16xi32>
          %get3A_281 = arith.index_cast %add3A_277 : i32 to index
          %get3A_282 = tpu.vector_load %arg8[%get3A_281] {strides = array<i32>} : memref<1024xi32, #tpu.memory_space<vmem>>, vector<16xi32>,
          %get3A_283 = vector.shape_cast %get3A_282 : vector<16xi32> to vector<16xi32>
          %get3A_284 = arith.index_cast %add3A_277 : i32 to index
          %get3A_285 = tpu.vector_load %arg9[%get3A_284] {strides = array<i32>} : memref<1024xi32, #tpu.memory_space<vmem>>, vector<16xi32>,
          %get3A_286 = vector.shape_cast %get3A_285 : vector<16xi32> to vector<16xi32>
          %mul3A_287 = arith.constant 10000 : i32
          %mul3A_288 = vector.broadcast %mul3A_287 : i32 to vector<16xi32>
          %mul3A_289 = arith.muli %get3A_286, %mul3A_288 : vector<16xi32>
          %add3A_290 = arith.addi %mul3A_289, %get3A_283 : vector<16xi32>
          %sub3A_291 = vector.broadcast %add3A : i32 to vector<16xi32>
          %sub3A_292 = arith.subi %add3A_290, %sub3A_291 : vector<16xi32>
          %ge3A_293 = arith.constant 0 : i32
          %ge3A_294 = vector.broadcast %ge3A_293 : i32 to vector<16xi32>
          %ge3A_295 = arith.cmpi sge, %sub3A_292, %ge3A_294 : vector<16xi32>
          %lt3A_296 = arith.constant 11264 : i32
          %lt3A_297 = vector.broadcast %lt3A_296 : i32 to vector<16xi32>
          %lt3A_298 = arith.cmpi slt, %sub3A_292, %lt3A_297 : vector<16xi32>
          %and3A_299 = arith.andi %ge3A_295, %lt3A_298 : vector<16xi1>
          %jit3A_300 = arith.constant 10000 : i32
          %broadcast_in_dim3A_301 = vector.broadcast %jit3A_300 : i32 to vector<16xi32>
          %select_n3A_302 = arith.select %and3A_299, %get3A_280, %broadcast_in_dim3A_301 : vector<16xi1>, vector<16xi32>
          %swap3A_303 = arith.index_cast %scan3A_180 : i32 to index
          %swap3A_304 = arith.constant 32 : index
          %swap3A_305 = tpu.vector_load %arg10[%swap3A_303, %swap3A_304] {strides = array<i32>} : memref<8x128xi32, #tpu.memory_space<vmem>>, vector<1x16xi32>,
          %swap3A_306 = vector.shape_cast %swap3A_305 : vector<1x16xi32> to vector<16xi32>
          %swap3A_307 = vector.shape_cast %select_n3A_302 : vector<16xi32> to vector<1x16xi32>
          tpu.vector_store %arg10[%swap3A_303, %swap3A_304], %swap3A_307 {strides = array<i32>} : memref<8x128xi32, #tpu.memory_space<vmem>>, vector<1x16xi32>,
          %jit3A_308 = arith.constant 10000 : i32
          %broadcast_in_dim3A_309 = vector.broadcast %jit3A_308 : i32 to vector<16xi32>
          %select_n3A_310 = arith.select %and3A_299, %get3A_280, %broadcast_in_dim3A_309 : vector<16xi1>, vector<16xi32>
          %swap3A_311 = arith.index_cast %add3A_277 : i32 to index
          %swap3A_312 = tpu.vector_load %arg11[%swap3A_311] {strides = array<i32>} : memref<1024xi32, #tpu.memory_space<vmem>>, vector<16xi32>,
          %swap3A_313 = vector.shape_cast %swap3A_312 : vector<16xi32> to vector<16xi32>
          %swap3A_314 = vector.shape_cast %select_n3A_310 : vector<16xi32> to vector<16xi32>
          tpu.vector_store %arg11[%swap3A_311], %swap3A_314 {strides = array<i32>} : memref<1024xi32, #tpu.memory_space<vmem>>, vector<16xi32>,
          %and3A_315 = arith.constant 8191 : i32
          %and3A_316 = vector.broadcast %and3A_315 : i32 to vector<16xi32>
          %and3A_317 = arith.andi %sub3A_292, %and3A_316 : vector<16xi32>
          %select_n3A_318 = arith.select %and3A_299, %sub3A_292, %and3A_317 : vector<16xi1>, vector<16xi32>
          %swap3A_319 = arith.index_cast %scan3A_180 : i32 to index
          %swap3A_320 = arith.constant 32 : index
          %swap3A_321 = tpu.vector_load %arg12[%swap3A_319, %swap3A_320] {strides = array<i32>} : memref<8x128xi32, #tpu.memory_space<vmem>>, vector<1x16xi32>,
          %swap3A_322 = vector.shape_cast %swap3A_321 : vector<1x16xi32> to vector<16xi32>
          %swap3A_323 = vector.shape_cast %select_n3A_318 : vector<16xi32> to vector<1x16xi32>
          tpu.vector_store %arg12[%swap3A_319, %swap3A_320], %swap3A_323 {strides = array<i32>} : memref<8x128xi32, #tpu.memory_space<vmem>>, vector<1x16xi32>,
          %mul3A_324 = arith.constant 128 : i32
          %mul3A_325 = arith.muli %scan3A_180, %mul3A_324 : i32
          %add3A_326 = arith.constant 48 : i32
          %add3A_327 = arith.addi %mul3A_325, %add3A_326 : i32
          %get3A_328 = arith.index_cast %add3A_327 : i32 to index
          %get3A_329 = tpu.vector_load %arg7[%get3A_328] {strides = array<i32>} : memref<1024xi32, #tpu.memory_space<vmem>>, vector<16xi32>,
          %get3A_330 = vector.shape_cast %get3A_329 : vector<16xi32> to vector<16xi32>
          %get3A_331 = arith.index_cast %add3A_327 : i32 to index
          %get3A_332 = tpu.vector_load %arg8[%get3A_331] {strides = array<i32>} : memref<1024xi32, #tpu.memory_space<vmem>>, vector<16xi32>,
          %get3A_333 = vector.shape_cast %get3A_332 : vector<16xi32> to vector<16xi32>
          %get3A_334 = arith.index_cast %add3A_327 : i32 to index
          %get3A_335 = tpu.vector_load %arg9[%get3A_334] {strides = array<i32>} : memref<1024xi32, #tpu.memory_space<vmem>>, vector<16xi32>,
          %get3A_336 = vector.shape_cast %get3A_335 : vector<16xi32> to vector<16xi32>
          %mul3A_337 = arith.constant 10000 : i32
          %mul3A_338 = vector.broadcast %mul3A_337 : i32 to vector<16xi32>
          %mul3A_339 = arith.muli %get3A_336, %mul3A_338 : vector<16xi32>
          %add3A_340 = arith.addi %mul3A_339, %get3A_333 : vector<16xi32>
          %sub3A_341 = vector.broadcast %add3A : i32 to vector<16xi32>
          %sub3A_342 = arith.subi %add3A_340, %sub3A_341 : vector<16xi32>
          %ge3A_343 = arith.constant 0 : i32
          %ge3A_344 = vector.broadcast %ge3A_343 : i32 to vector<16xi32>
          %ge3A_345 = arith.cmpi sge, %sub3A_342, %ge3A_344 : vector<16xi32>
          %lt3A_346 = arith.constant 11264 : i32
          %lt3A_347 = vector.broadcast %lt3A_346 : i32 to vector<16xi32>
          %lt3A_348 = arith.cmpi slt, %sub3A_342, %lt3A_347 : vector<16xi32>
          %and3A_349 = arith.andi %ge3A_345, %lt3A_348 : vector<16xi1>
          %jit3A_350 = arith.constant 10000 : i32
          %broadcast_in_dim3A_351 = vector.broadcast %jit3A_350 : i32 to vector<16xi32>
          %select_n3A_352 = arith.select %and3A_349, %get3A_330, %broadcast_in_dim3A_351 : vector<16xi1>, vector<16xi32>
          %swap3A_353 = arith.index_cast %scan3A_180 : i32 to index
          %swap3A_354 = arith.constant 48 : index
          %swap3A_355 = tpu.vector_load %arg10[%swap3A_353, %swap3A_354] {strides = array<i32>} : memref<8x128xi32, #tpu.memory_space<vmem>>, vector<1x16xi32>,
          %swap3A_356 = vector.shape_cast %swap3A_355 : vector<1x16xi32> to vector<16xi32>
          %swap3A_357 = vector.shape_cast %select_n3A_352 : vector<16xi32> to vector<1x16xi32>
          tpu.vector_store %arg10[%swap3A_353, %swap3A_354], %swap3A_357 {strides = array<i32>} : memref<8x128xi32, #tpu.memory_space<vmem>>, vector<1x16xi32>,
          %jit3A_358 = arith.constant 10000 : i32
          %broadcast_in_dim3A_359 = vector.broadcast %jit3A_358 : i32 to vector<16xi32>
          %select_n3A_360 = arith.select %and3A_349, %get3A_330, %broadcast_in_dim3A_359 : vector<16xi1>, vector<16xi32>
          %swap3A_361 = arith.index_cast %add3A_327 : i32 to index
          %swap3A_362 = tpu.vector_load %arg11[%swap3A_361] {strides = array<i32>} : memref<1024xi32, #tpu.memory_space<vmem>>, vector<16xi32>,
          %swap3A_363 = vector.shape_cast %swap3A_362 : vector<16xi32> to vector<16xi32>
          %swap3A_364 = vector.shape_cast %select_n3A_360 : vector<16xi32> to vector<16xi32>
          tpu.vector_store %arg11[%swap3A_361], %swap3A_364 {strides = array<i32>} : memref<1024xi32, #tpu.memory_space<vmem>>, vector<16xi32>,
          %and3A_365 = arith.constant 8191 : i32
          %and3A_366 = vector.broadcast %and3A_365 : i32 to vector<16xi32>
          %and3A_367 = arith.andi %sub3A_342, %and3A_366 : vector<16xi32>
          %select_n3A_368 = arith.select %and3A_349, %sub3A_342, %and3A_367 : vector<16xi1>, vector<16xi32>
          %swap3A_369 = arith.index_cast %scan3A_180 : i32 to index
          %swap3A_370 = arith.constant 48 : index
          %swap3A_371 = tpu.vector_load %arg12[%swap3A_369, %swap3A_370] {strides = array<i32>} : memref<8x128xi32, #tpu.memory_space<vmem>>, vector<1x16xi32>,
          %swap3A_372 = vector.shape_cast %swap3A_371 : vector<1x16xi32> to vector<16xi32>
          %swap3A_373 = vector.shape_cast %select_n3A_368 : vector<16xi32> to vector<1x16xi32>
          tpu.vector_store %arg12[%swap3A_369, %swap3A_370], %swap3A_373 {strides = array<i32>} : memref<8x128xi32, #tpu.memory_space<vmem>>, vector<1x16xi32>,
          %mul3A_374 = arith.constant 128 : i32
          %mul3A_375 = arith.muli %scan3A_180, %mul3A_374 : i32
          %add3A_376 = arith.constant 64 : i32
          %add3A_377 = arith.addi %mul3A_375, %add3A_376 : i32
          %get3A_378 = arith.index_cast %add3A_377 : i32 to index
          %get3A_379 = tpu.vector_load %arg7[%get3A_378] {strides = array<i32>} : memref<1024xi32, #tpu.memory_space<vmem>>, vector<16xi32>,
          %get3A_380 = vector.shape_cast %get3A_379 : vector<16xi32> to vector<16xi32>
          %get3A_381 = arith.index_cast %add3A_377 : i32 to index
          %get3A_382 = tpu.vector_load %arg8[%get3A_381] {strides = array<i32>} : memref<1024xi32, #tpu.memory_space<vmem>>, vector<16xi32>,
          %get3A_383 = vector.shape_cast %get3A_382 : vector<16xi32> to vector<16xi32>
          %get3A_384 = arith.index_cast %add3A_377 : i32 to index
          %get3A_385 = tpu.vector_load %arg9[%get3A_384] {strides = array<i32>} : memref<1024xi32, #tpu.memory_space<vmem>>, vector<16xi32>,
          %get3A_386 = vector.shape_cast %get3A_385 : vector<16xi32> to vector<16xi32>
          %mul3A_387 = arith.constant 10000 : i32
          %mul3A_388 = vector.broadcast %mul3A_387 : i32 to vector<16xi32>
          %mul3A_389 = arith.muli %get3A_386, %mul3A_388 : vector<16xi32>
          %add3A_390 = arith.addi %mul3A_389, %get3A_383 : vector<16xi32>
          %sub3A_391 = vector.broadcast %add3A : i32 to vector<16xi32>
          %sub3A_392 = arith.subi %add3A_390, %sub3A_391 : vector<16xi32>
          %ge3A_393 = arith.constant 0 : i32
          %ge3A_394 = vector.broadcast %ge3A_393 : i32 to vector<16xi32>
          %ge3A_395 = arith.cmpi sge, %sub3A_392, %ge3A_394 : vector<16xi32>
          %lt3A_396 = arith.constant 11264 : i32
          %lt3A_397 = vector.broadcast %lt3A_396 : i32 to vector<16xi32>
          %lt3A_398 = arith.cmpi slt, %sub3A_392, %lt3A_397 : vector<16xi32>
          %and3A_399 = arith.andi %ge3A_395, %lt3A_398 : vector<16xi1>
          %jit3A_400 = arith.constant 10000 : i32
          %broadcast_in_dim3A_401 = vector.broadcast %jit3A_400 : i32 to vector<16xi32>
          %select_n3A_402 = arith.select %and3A_399, %get3A_380, %broadcast_in_dim3A_401 : vector<16xi1>, vector<16xi32>
          %swap3A_403 = arith.index_cast %scan3A_180 : i32 to index
          %swap3A_404 = arith.constant 64 : index
          %swap3A_405 = tpu.vector_load %arg10[%swap3A_403, %swap3A_404] {strides = array<i32>} : memref<8x128xi32, #tpu.memory_space<vmem>>, vector<1x16xi32>,
          %swap3A_406 = vector.shape_cast %swap3A_405 : vector<1x16xi32> to vector<16xi32>
          %swap3A_407 = vector.shape_cast %select_n3A_402 : vector<16xi32> to vector<1x16xi32>
          tpu.vector_store %arg10[%swap3A_403, %swap3A_404], %swap3A_407 {strides = array<i32>} : memref<8x128xi32, #tpu.memory_space<vmem>>, vector<1x16xi32>,
          %jit3A_408 = arith.constant 10000 : i32
          %broadcast_in_dim3A_409 = vector.broadcast %jit3A_408 : i32 to vector<16xi32>
          %select_n3A_410 = arith.select %and3A_399, %get3A_380, %broadcast_in_dim3A_409 : vector<16xi1>, vector<16xi32>
          %swap3A_411 = arith.index_cast %add3A_377 : i32 to index
          %swap3A_412 = tpu.vector_load %arg11[%swap3A_411] {strides = array<i32>} : memref<1024xi32, #tpu.memory_space<vmem>>, vector<16xi32>,
          %swap3A_413 = vector.shape_cast %swap3A_412 : vector<16xi32> to vector<16xi32>
          %swap3A_414 = vector.shape_cast %select_n3A_410 : vector<16xi32> to vector<16xi32>
          tpu.vector_store %arg11[%swap3A_411], %swap3A_414 {strides = array<i32>} : memref<1024xi32, #tpu.memory_space<vmem>>, vector<16xi32>,
          %and3A_415 = arith.constant 8191 : i32
          %and3A_416 = vector.broadcast %and3A_415 : i32 to vector<16xi32>
          %and3A_417 = arith.andi %sub3A_392, %and3A_416 : vector<16xi32>
          %select_n3A_418 = arith.select %and3A_399, %sub3A_392, %and3A_417 : vector<16xi1>, vector<16xi32>
          %swap3A_419 = arith.index_cast %scan3A_180 : i32 to index
          %swap3A_420 = arith.constant 64 : index
          %swap3A_421 = tpu.vector_load %arg12[%swap3A_419, %swap3A_420] {strides = array<i32>} : memref<8x128xi32, #tpu.memory_space<vmem>>, vector<1x16xi32>,
          %swap3A_422 = vector.shape_cast %swap3A_421 : vector<1x16xi32> to vector<16xi32>
          %swap3A_423 = vector.shape_cast %select_n3A_418 : vector<16xi32> to vector<1x16xi32>
          tpu.vector_store %arg12[%swap3A_419, %swap3A_420], %swap3A_423 {strides = array<i32>} : memref<8x128xi32, #tpu.memory_space<vmem>>, vector<1x16xi32>,
          %mul3A_424 = arith.constant 128 : i32
          %mul3A_425 = arith.muli %scan3A_180, %mul3A_424 : i32
          %add3A_426 = arith.constant 80 : i32
          %add3A_427 = arith.addi %mul3A_425, %add3A_426 : i32
          %get3A_428 = arith.index_cast %add3A_427 : i32 to index
          %get3A_429 = tpu.vector_load %arg7[%get3A_428] {strides = array<i32>} : memref<1024xi32, #tpu.memory_space<vmem>>, vector<16xi32>,
          %get3A_430 = vector.shape_cast %get3A_429 : vector<16xi32> to vector<16xi32>
          %get3A_431 = arith.index_cast %add3A_427 : i32 to index
          %get3A_432 = tpu.vector_load %arg8[%get3A_431] {strides = array<i32>} : memref<1024xi32, #tpu.memory_space<vmem>>, vector<16xi32>,
          %get3A_433 = vector.shape_cast %get3A_432 : vector<16xi32> to vector<16xi32>
          %get3A_434 = arith.index_cast %add3A_427 : i32 to index
          %get3A_435 = tpu.vector_load %arg9[%get3A_434] {strides = array<i32>} : memref<1024xi32, #tpu.memory_space<vmem>>, vector<16xi32>,
          %get3A_436 = vector.shape_cast %get3A_435 : vector<16xi32> to vector<16xi32>
          %mul3A_437 = arith.constant 10000 : i32
          %mul3A_438 = vector.broadcast %mul3A_437 : i32 to vector<16xi32>
          %mul3A_439 = arith.muli %get3A_436, %mul3A_438 : vector<16xi32>
          %add3A_440 = arith.addi %mul3A_439, %get3A_433 : vector<16xi32>
          %sub3A_441 = vector.broadcast %add3A : i32 to vector<16xi32>
          %sub3A_442 = arith.subi %add3A_440, %sub3A_441 : vector<16xi32>
          %ge3A_443 = arith.constant 0 : i32
          %ge3A_444 = vector.broadcast %ge3A_443 : i32 to vector<16xi32>
          %ge3A_445 = arith.cmpi sge, %sub3A_442, %ge3A_444 : vector<16xi32>
          %lt3A_446 = arith.constant 11264 : i32
          %lt3A_447 = vector.broadcast %lt3A_446 : i32 to vector<16xi32>
          %lt3A_448 = arith.cmpi slt, %sub3A_442, %lt3A_447 : vector<16xi32>
          %and3A_449 = arith.andi %ge3A_445, %lt3A_448 : vector<16xi1>
          %jit3A_450 = arith.constant 10000 : i32
          %broadcast_in_dim3A_451 = vector.broadcast %jit3A_450 : i32 to vector<16xi32>
          %select_n3A_452 = arith.select %and3A_449, %get3A_430, %broadcast_in_dim3A_451 : vector<16xi1>, vector<16xi32>
          %swap3A_453 = arith.index_cast %scan3A_180 : i32 to index
          %swap3A_454 = arith.constant 80 : index
          %swap3A_455 = tpu.vector_load %arg10[%swap3A_453, %swap3A_454] {strides = array<i32>} : memref<8x128xi32, #tpu.memory_space<vmem>>, vector<1x16xi32>,
          %swap3A_456 = vector.shape_cast %swap3A_455 : vector<1x16xi32> to vector<16xi32>
          %swap3A_457 = vector.shape_cast %select_n3A_452 : vector<16xi32> to vector<1x16xi32>
          tpu.vector_store %arg10[%swap3A_453, %swap3A_454], %swap3A_457 {strides = array<i32>} : memref<8x128xi32, #tpu.memory_space<vmem>>, vector<1x16xi32>,
          %jit3A_458 = arith.constant 10000 : i32
          %broadcast_in_dim3A_459 = vector.broadcast %jit3A_458 : i32 to vector<16xi32>
          %select_n3A_460 = arith.select %and3A_449, %get3A_430, %broadcast_in_dim3A_459 : vector<16xi1>, vector<16xi32>
          %swap3A_461 = arith.index_cast %add3A_427 : i32 to index
          %swap3A_462 = tpu.vector_load %arg11[%swap3A_461] {strides = array<i32>} : memref<1024xi32, #tpu.memory_space<vmem>>, vector<16xi32>,
          %swap3A_463 = vector.shape_cast %swap3A_462 : vector<16xi32> to vector<16xi32>
          %swap3A_464 = vector.shape_cast %select_n3A_460 : vector<16xi32> to vector<16xi32>
          tpu.vector_store %arg11[%swap3A_461], %swap3A_464 {strides = array<i32>} : memref<1024xi32, #tpu.memory_space<vmem>>, vector<16xi32>,
          %and3A_465 = arith.constant 8191 : i32
          %and3A_466 = vector.broadcast %and3A_465 : i32 to vector<16xi32>
          %and3A_467 = arith.andi %sub3A_442, %and3A_466 : vector<16xi32>
          %select_n3A_468 = arith.select %and3A_449, %sub3A_442, %and3A_467 : vector<16xi1>, vector<16xi32>
          %swap3A_469 = arith.index_cast %scan3A_180 : i32 to index
          %swap3A_470 = arith.constant 80 : index
          %swap3A_471 = tpu.vector_load %arg12[%swap3A_469, %swap3A_470] {strides = array<i32>} : memref<8x128xi32, #tpu.memory_space<vmem>>, vector<1x16xi32>,
          %swap3A_472 = vector.shape_cast %swap3A_471 : vector<1x16xi32> to vector<16xi32>
          %swap3A_473 = vector.shape_cast %select_n3A_468 : vector<16xi32> to vector<1x16xi32>
          tpu.vector_store %arg12[%swap3A_469, %swap3A_470], %swap3A_473 {strides = array<i32>} : memref<8x128xi32, #tpu.memory_space<vmem>>, vector<1x16xi32>,
          %mul3A_474 = arith.constant 128 : i32
          %mul3A_475 = arith.muli %scan3A_180, %mul3A_474 : i32
          %add3A_476 = arith.constant 96 : i32
          %add3A_477 = arith.addi %mul3A_475, %add3A_476 : i32
          %get3A_478 = arith.index_cast %add3A_477 : i32 to index
          %get3A_479 = tpu.vector_load %arg7[%get3A_478] {strides = array<i32>} : memref<1024xi32, #tpu.memory_space<vmem>>, vector<16xi32>,
          %get3A_480 = vector.shape_cast %get3A_479 : vector<16xi32> to vector<16xi32>
          %get3A_481 = arith.index_cast %add3A_477 : i32 to index
          %get3A_482 = tpu.vector_load %arg8[%get3A_481] {strides = array<i32>} : memref<1024xi32, #tpu.memory_space<vmem>>, vector<16xi32>,
          %get3A_483 = vector.shape_cast %get3A_482 : vector<16xi32> to vector<16xi32>
          %get3A_484 = arith.index_cast %add3A_477 : i32 to index
          %get3A_485 = tpu.vector_load %arg9[%get3A_484] {strides = array<i32>} : memref<1024xi32, #tpu.memory_space<vmem>>, vector<16xi32>,
          %get3A_486 = vector.shape_cast %get3A_485 : vector<16xi32> to vector<16xi32>
          %mul3A_487 = arith.constant 10000 : i32
          %mul3A_488 = vector.broadcast %mul3A_487 : i32 to vector<16xi32>
          %mul3A_489 = arith.muli %get3A_486, %mul3A_488 : vector<16xi32>
          %add3A_490 = arith.addi %mul3A_489, %get3A_483 : vector<16xi32>
          %sub3A_491 = vector.broadcast %add3A : i32 to vector<16xi32>
          %sub3A_492 = arith.subi %add3A_490, %sub3A_491 : vector<16xi32>
          %ge3A_493 = arith.constant 0 : i32
          %ge3A_494 = vector.broadcast %ge3A_493 : i32 to vector<16xi32>
          %ge3A_495 = arith.cmpi sge, %sub3A_492, %ge3A_494 : vector<16xi32>
          %lt3A_496 = arith.constant 11264 : i32
          %lt3A_497 = vector.broadcast %lt3A_496 : i32 to vector<16xi32>
          %lt3A_498 = arith.cmpi slt, %sub3A_492, %lt3A_497 : vector<16xi32>
          %and3A_499 = arith.andi %ge3A_495, %lt3A_498 : vector<16xi1>
          %jit3A_500 = arith.constant 10000 : i32
          %broadcast_in_dim3A_501 = vector.broadcast %jit3A_500 : i32 to vector<16xi32>
          %select_n3A_502 = arith.select %and3A_499, %get3A_480, %broadcast_in_dim3A_501 : vector<16xi1>, vector<16xi32>
          %swap3A_503 = arith.index_cast %scan3A_180 : i32 to index
          %swap3A_504 = arith.constant 96 : index
          %swap3A_505 = tpu.vector_load %arg10[%swap3A_503, %swap3A_504] {strides = array<i32>} : memref<8x128xi32, #tpu.memory_space<vmem>>, vector<1x16xi32>,
          %swap3A_506 = vector.shape_cast %swap3A_505 : vector<1x16xi32> to vector<16xi32>
          %swap3A_507 = vector.shape_cast %select_n3A_502 : vector<16xi32> to vector<1x16xi32>
          tpu.vector_store %arg10[%swap3A_503, %swap3A_504], %swap3A_507 {strides = array<i32>} : memref<8x128xi32, #tpu.memory_space<vmem>>, vector<1x16xi32>,
          %jit3A_508 = arith.constant 10000 : i32
          %broadcast_in_dim3A_509 = vector.broadcast %jit3A_508 : i32 to vector<16xi32>
          %select_n3A_510 = arith.select %and3A_499, %get3A_480, %broadcast_in_dim3A_509 : vector<16xi1>, vector<16xi32>
          %swap3A_511 = arith.index_cast %add3A_477 : i32 to index
          %swap3A_512 = tpu.vector_load %arg11[%swap3A_511] {strides = array<i32>} : memref<1024xi32, #tpu.memory_space<vmem>>, vector<16xi32>,
          %swap3A_513 = vector.shape_cast %swap3A_512 : vector<16xi32> to vector<16xi32>
          %swap3A_514 = vector.shape_cast %select_n3A_510 : vector<16xi32> to vector<16xi32>
          tpu.vector_store %arg11[%swap3A_511], %swap3A_514 {strides = array<i32>} : memref<1024xi32, #tpu.memory_space<vmem>>, vector<16xi32>,
          %and3A_515 = arith.constant 8191 : i32
          %and3A_516 = vector.broadcast %and3A_515 : i32 to vector<16xi32>
          %and3A_517 = arith.andi %sub3A_492, %and3A_516 : vector<16xi32>
          %select_n3A_518 = arith.select %and3A_499, %sub3A_492, %and3A_517 : vector<16xi1>, vector<16xi32>
          %swap3A_519 = arith.index_cast %scan3A_180 : i32 to index
          %swap3A_520 = arith.constant 96 : index
          %swap3A_521 = tpu.vector_load %arg12[%swap3A_519, %swap3A_520] {strides = array<i32>} : memref<8x128xi32, #tpu.memory_space<vmem>>, vector<1x16xi32>,
          %swap3A_522 = vector.shape_cast %swap3A_521 : vector<1x16xi32> to vector<16xi32>
          %swap3A_523 = vector.shape_cast %select_n3A_518 : vector<16xi32> to vector<1x16xi32>
          tpu.vector_store %arg12[%swap3A_519, %swap3A_520], %swap3A_523 {strides = array<i32>} : memref<8x128xi32, #tpu.memory_space<vmem>>, vector<1x16xi32>,
          %mul3A_524 = arith.constant 128 : i32
          %mul3A_525 = arith.muli %scan3A_180, %mul3A_524 : i32
          %add3A_526 = arith.constant 112 : i32
          %add3A_527 = arith.addi %mul3A_525, %add3A_526 : i32
          %get3A_528 = arith.index_cast %add3A_527 : i32 to index
          %get3A_529 = tpu.vector_load %arg7[%get3A_528] {strides = array<i32>} : memref<1024xi32, #tpu.memory_space<vmem>>, vector<16xi32>,
          %get3A_530 = vector.shape_cast %get3A_529 : vector<16xi32> to vector<16xi32>
          %get3A_531 = arith.index_cast %add3A_527 : i32 to index
          %get3A_532 = tpu.vector_load %arg8[%get3A_531] {strides = array<i32>} : memref<1024xi32, #tpu.memory_space<vmem>>, vector<16xi32>,
          %get3A_533 = vector.shape_cast %get3A_532 : vector<16xi32> to vector<16xi32>
          %get3A_534 = arith.index_cast %add3A_527 : i32 to index
          %get3A_535 = tpu.vector_load %arg9[%get3A_534] {strides = array<i32>} : memref<1024xi32, #tpu.memory_space<vmem>>, vector<16xi32>,
          %get3A_536 = vector.shape_cast %get3A_535 : vector<16xi32> to vector<16xi32>
          %mul3A_537 = arith.constant 10000 : i32
          %mul3A_538 = vector.broadcast %mul3A_537 : i32 to vector<16xi32>
          %mul3A_539 = arith.muli %get3A_536, %mul3A_538 : vector<16xi32>
          %add3A_540 = arith.addi %mul3A_539, %get3A_533 : vector<16xi32>
          %sub3A_541 = vector.broadcast %add3A : i32 to vector<16xi32>
          %sub3A_542 = arith.subi %add3A_540, %sub3A_541 : vector<16xi32>
          %ge3A_543 = arith.constant 0 : i32
          %ge3A_544 = vector.broadcast %ge3A_543 : i32 to vector<16xi32>
          %ge3A_545 = arith.cmpi sge, %sub3A_542, %ge3A_544 : vector<16xi32>
          %lt3A_546 = arith.constant 11264 : i32
          %lt3A_547 = vector.broadcast %lt3A_546 : i32 to vector<16xi32>
          %lt3A_548 = arith.cmpi slt, %sub3A_542, %lt3A_547 : vector<16xi32>
          %and3A_549 = arith.andi %ge3A_545, %lt3A_548 : vector<16xi1>
          %jit3A_550 = arith.constant 10000 : i32
          %broadcast_in_dim3A_551 = vector.broadcast %jit3A_550 : i32 to vector<16xi32>
          %select_n3A_552 = arith.select %and3A_549, %get3A_530, %broadcast_in_dim3A_551 : vector<16xi1>, vector<16xi32>
          %swap3A_553 = arith.index_cast %scan3A_180 : i32 to index
          %swap3A_554 = arith.constant 112 : index
          %swap3A_555 = tpu.vector_load %arg10[%swap3A_553, %swap3A_554] {strides = array<i32>} : memref<8x128xi32, #tpu.memory_space<vmem>>, vector<1x16xi32>,
          %swap3A_556 = vector.shape_cast %swap3A_555 : vector<1x16xi32> to vector<16xi32>
          %swap3A_557 = vector.shape_cast %select_n3A_552 : vector<16xi32> to vector<1x16xi32>
          tpu.vector_store %arg10[%swap3A_553, %swap3A_554], %swap3A_557 {strides = array<i32>} : memref<8x128xi32, #tpu.memory_space<vmem>>, vector<1x16xi32>,
          %jit3A_558 = arith.constant 10000 : i32
          %broadcast_in_dim3A_559 = vector.broadcast %jit3A_558 : i32 to vector<16xi32>
          %select_n3A_560 = arith.select %and3A_549, %get3A_530, %broadcast_in_dim3A_559 : vector<16xi1>, vector<16xi32>
          %swap3A_561 = arith.index_cast %add3A_527 : i32 to index
          %swap3A_562 = tpu.vector_load %arg11[%swap3A_561] {strides = array<i32>} : memref<1024xi32, #tpu.memory_space<vmem>>, vector<16xi32>,
          %swap3A_563 = vector.shape_cast %swap3A_562 : vector<16xi32> to vector<16xi32>
          %swap3A_564 = vector.shape_cast %select_n3A_560 : vector<16xi32> to vector<16xi32>
          tpu.vector_store %arg11[%swap3A_561], %swap3A_564 {strides = array<i32>} : memref<1024xi32, #tpu.memory_space<vmem>>, vector<16xi32>,
          %and3A_565 = arith.constant 8191 : i32
          %and3A_566 = vector.broadcast %and3A_565 : i32 to vector<16xi32>
          %and3A_567 = arith.andi %sub3A_542, %and3A_566 : vector<16xi32>
          %select_n3A_568 = arith.select %and3A_549, %sub3A_542, %and3A_567 : vector<16xi1>, vector<16xi32>
          %swap3A_569 = arith.index_cast %scan3A_180 : i32 to index
          %swap3A_570 = arith.constant 112 : index
          %swap3A_571 = tpu.vector_load %arg12[%swap3A_569, %swap3A_570] {strides = array<i32>} : memref<8x128xi32, #tpu.memory_space<vmem>>, vector<1x16xi32>,
          %swap3A_572 = vector.shape_cast %swap3A_571 : vector<1x16xi32> to vector<16xi32>
          %swap3A_573 = vector.shape_cast %select_n3A_568 : vector<16xi32> to vector<1x16xi32>
          tpu.vector_store %arg12[%swap3A_569, %swap3A_570], %swap3A_573 {strides = array<i32>} : memref<8x128xi32, #tpu.memory_space<vmem>>, vector<1x16xi32>,
          %scan3A_574 = arith.constant 0 : i32
          scf.yield %scan3A_574 : i32
        }
        %scan3A_52 = arith.constant 8 : i32
        %dma_start3A = arith.constant 0 : i32
        %dma_start3A_53 = arith.constant 0 : i32
        %dma_start3A_54 = tpu.memref_slice %arg13[%dma_start3A, %dma_start3A_53] : memref<256x128xf32, #tpu.memory_space<vmem>> -> memref<128x128xf32, #tpu.memory_space<vmem>>
        %dma_start3A_55 = arith.constant 0 : i32
        %dma_start3A_56 = tpu.memref_slice %arg11[%dma_start3A_55] : memref<1024xi32, #tpu.memory_space<vmem>> -> memref<128xi32, #tpu.memory_space<vmem>>
        %dma_start3A_57 = arith.constant 0 : i32
        %dma_start3A_58 = arith.constant 0 : i32
        %dma_start3A_59 = tpu.memref_slice %arg2[%dma_start3A_57, %dma_start3A_58] : memref<10008x128xf32, #tpu.memory_space<hbm>> -> memref<10008x128xf32, #tpu.memory_space<hbm>>
        tpu.enqueue_indirect_dma source(%dma_start3A_59 : memref<10008x128xf32, #tpu.memory_space<hbm>>) target(%dma_start3A_54 : memref<128x128xf32, #tpu.memory_space<vmem>>) offsets(%dma_start3A_56 : memref<128xi32, #tpu.memory_space<vmem>>) semaphore(%arg16 : memref<!tpu.dma_semaphore, #tpu.memory_space<semaphore_mem>>)
        %dma_start3A_60 = arith.constant 128 : i32
        %dma_start3A_61 = arith.constant 0 : i32
        %dma_start3A_62 = tpu.memref_slice %arg13[%dma_start3A_60, %dma_start3A_61] : memref<256x128xf32, #tpu.memory_space<vmem>> -> memref<128x128xf32, #tpu.memory_space<vmem>>
        %dma_start3A_63 = arith.constant 128 : i32
        %dma_start3A_64 = tpu.memref_slice %arg11[%dma_start3A_63] : memref<1024xi32, #tpu.memory_space<vmem>> -> memref<128xi32, #tpu.memory_space<vmem>>
        %dma_start3A_65 = arith.constant 0 : i32
        %dma_start3A_66 = arith.constant 0 : i32
        %dma_start3A_67 = tpu.memref_slice %arg2[%dma_start3A_65, %dma_start3A_66] : memref<10008x128xf32, #tpu.memory_space<hbm>> -> memref<10008x128xf32, #tpu.memory_space<hbm>>
        tpu.enqueue_indirect_dma source(%dma_start3A_67 : memref<10008x128xf32, #tpu.memory_space<hbm>>) target(%dma_start3A_62 : memref<128x128xf32, #tpu.memory_space<vmem>>) offsets(%dma_start3A_64 : memref<128xi32, #tpu.memory_space<vmem>>) semaphore(%arg16 : memref<!tpu.dma_semaphore, #tpu.memory_space<semaphore_mem>>)
        %dma_wait3A = arith.constant 0 : i32
        %dma_wait3A_68 = arith.constant 0 : i32
        %dma_wait3A_69 = tpu.memref_slice %arg13[%dma_wait3A, %dma_wait3A_68] : memref<256x128xf32, #tpu.memory_space<vmem>> -> memref<128x128xf32, #tpu.memory_space<vmem>>
        %dma_wait3A_70 = arith.constant 0 : i32
        %dma_wait3A_71 = tpu.memref_slice %arg11[%dma_wait3A_70] : memref<1024xi32, #tpu.memory_space<vmem>> -> memref<128xi32, #tpu.memory_space<vmem>>
        %dma_wait3A_72 = arith.constant 0 : i32
        %dma_wait3A_73 = arith.constant 0 : i32
        %dma_wait3A_74 = tpu.memref_slice %arg2[%dma_wait3A_72, %dma_wait3A_73] : memref<10008x128xf32, #tpu.memory_space<hbm>> -> memref<10008x128xf32, #tpu.memory_space<hbm>>
        tpu.wait_indirect_dma semaphore(%arg16 : memref<!tpu.dma_semaphore, #tpu.memory_space<semaphore_mem>>) src(%dma_wait3A_74 : memref<10008x128xf32, #tpu.memory_space<hbm>>) dst(%dma_wait3A_69 : memref<128x128xf32, #tpu.memory_space<vmem>>)
        %dma_wait3A_75 = arith.constant 128 : i32
        %dma_wait3A_76 = arith.constant 0 : i32
        %dma_wait3A_77 = tpu.memref_slice %arg13[%dma_wait3A_75, %dma_wait3A_76] : memref<256x128xf32, #tpu.memory_space<vmem>> -> memref<128x128xf32, #tpu.memory_space<vmem>>
        %dma_wait3A_78 = arith.constant 128 : i32
        %dma_wait3A_79 = tpu.memref_slice %arg11[%dma_wait3A_78] : memref<1024xi32, #tpu.memory_space<vmem>> -> memref<128xi32, #tpu.memory_space<vmem>>
        %dma_wait3A_80 = arith.constant 0 : i32
        %dma_wait3A_81 = arith.constant 0 : i32
        %dma_wait3A_82 = tpu.memref_slice %arg2[%dma_wait3A_80, %dma_wait3A_81] : memref<10008x128xf32, #tpu.memory_space<hbm>> -> memref<10008x128xf32, #tpu.memory_space<hbm>>
        tpu.wait_indirect_dma semaphore(%arg16 : memref<!tpu.dma_semaphore, #tpu.memory_space<semaphore_mem>>) src(%dma_wait3A_82 : memref<10008x128xf32, #tpu.memory_space<hbm>>) dst(%dma_wait3A_77 : memref<128x128xf32, #tpu.memory_space<vmem>>)
        %dma_start3A_83 = arith.constant 0 : i32
        %dma_start3A_84 = arith.constant 0 : i32
        %dma_start3A_85 = tpu.memref_slice %arg13[%dma_start3A_83, %dma_start3A_84] : memref<256x128xf32, #tpu.memory_space<vmem>> -> memref<128x128xf32, #tpu.memory_space<vmem>>
        %dma_start3A_86 = arith.constant 256 : i32
        %dma_start3A_87 = tpu.memref_slice %arg11[%dma_start3A_86] : memref<1024xi32, #tpu.memory_space<vmem>> -> memref<128xi32, #tpu.memory_space<vmem>>
        %dma_start3A_88 = arith.constant 0 : i32
        %dma_start3A_89 = arith.constant 0 : i32
        %dma_start3A_90 = tpu.memref_slice %arg2[%dma_start3A_88, %dma_start3A_89] : memref<10008x128xf32, #tpu.memory_space<hbm>> -> memref<10008x128xf32, #tpu.memory_space<hbm>>
        tpu.enqueue_indirect_dma source(%dma_start3A_90 : memref<10008x128xf32, #tpu.memory_space<hbm>>) target(%dma_start3A_85 : memref<128x128xf32, #tpu.memory_space<vmem>>) offsets(%dma_start3A_87 : memref<128xi32, #tpu.memory_space<vmem>>) semaphore(%arg16 : memref<!tpu.dma_semaphore, #tpu.memory_space<semaphore_mem>>)
        %dma_start3A_91 = arith.constant 128 : i32
        %dma_start3A_92 = arith.constant 0 : i32
        %dma_start3A_93 = tpu.memref_slice %arg13[%dma_start3A_91, %dma_start3A_92] : memref<256x128xf32, #tpu.memory_space<vmem>> -> memref<128x128xf32, #tpu.memory_space<vmem>>
        %dma_start3A_94 = arith.constant 384 : i32
        %dma_start3A_95 = tpu.memref_slice %arg11[%dma_start3A_94] : memref<1024xi32, #tpu.memory_space<vmem>> -> memref<128xi32, #tpu.memory_space<vmem>>
        %dma_start3A_96 = arith.constant 0 : i32
        %dma_start3A_97 = arith.constant 0 : i32
        %dma_start3A_98 = tpu.memref_slice %arg2[%dma_start3A_96, %dma_start3A_97] : memref<10008x128xf32, #tpu.memory_space<hbm>> -> memref<10008x128xf32, #tpu.memory_space<hbm>>
        tpu.enqueue_indirect_dma source(%dma_start3A_98 : memref<10008x128xf32, #tpu.memory_space<hbm>>) target(%dma_start3A_93 : memref<128x128xf32, #tpu.memory_space<vmem>>) offsets(%dma_start3A_95 : memref<128xi32, #tpu.memory_space<vmem>>) semaphore(%arg16 : memref<!tpu.dma_semaphore, #tpu.memory_space<semaphore_mem>>)
        %dma_wait3A_99 = arith.constant 0 : i32
        %dma_wait3A_100 = arith.constant 0 : i32
        %dma_wait3A_101 = tpu.memref_slice %arg13[%dma_wait3A_99, %dma_wait3A_100] : memref<256x128xf32, #tpu.memory_space<vmem>> -> memref<128x128xf32, #tpu.memory_space<vmem>>
        %dma_wait3A_102 = arith.constant 256 : i32
        %dma_wait3A_103 = tpu.memref_slice %arg11[%dma_wait3A_102] : memref<1024xi32, #tpu.memory_space<vmem>> -> memref<128xi32, #tpu.memory_space<vmem>>
        %dma_wait3A_104 = arith.constant 0 : i32
        %dma_wait3A_105 = arith.constant 0 : i32
        %dma_wait3A_106 = tpu.memref_slice %arg2[%dma_wait3A_104, %dma_wait3A_105] : memref<10008x128xf32, #tpu.memory_space<hbm>> -> memref<10008x128xf32, #tpu.memory_space<hbm>>
        tpu.wait_indirect_dma semaphore(%arg16 : memref<!tpu.dma_semaphore, #tpu.memory_space<semaphore_mem>>) src(%dma_wait3A_106 : memref<10008x128xf32, #tpu.memory_space<hbm>>) dst(%dma_wait3A_101 : memref<128x128xf32, #tpu.memory_space<vmem>>)
        %dma_wait3A_107 = arith.constant 128 : i32
        %dma_wait3A_108 = arith.constant 0 : i32
        %dma_wait3A_109 = tpu.memref_slice %arg13[%dma_wait3A_107, %dma_wait3A_108] : memref<256x128xf32, #tpu.memory_space<vmem>> -> memref<128x128xf32, #tpu.memory_space<vmem>>
        %dma_wait3A_110 = arith.constant 384 : i32
        %dma_wait3A_111 = tpu.memref_slice %arg11[%dma_wait3A_110] : memref<1024xi32, #tpu.memory_space<vmem>> -> memref<128xi32, #tpu.memory_space<vmem>>
        %dma_wait3A_112 = arith.constant 0 : i32
        %dma_wait3A_113 = arith.constant 0 : i32
        %dma_wait3A_114 = tpu.memref_slice %arg2[%dma_wait3A_112, %dma_wait3A_113] : memref<10008x128xf32, #tpu.memory_space<hbm>> -> memref<10008x128xf32, #tpu.memory_space<hbm>>
        tpu.wait_indirect_dma semaphore(%arg16 : memref<!tpu.dma_semaphore, #tpu.memory_space<semaphore_mem>>) src(%dma_wait3A_114 : memref<10008x128xf32, #tpu.memory_space<hbm>>) dst(%dma_wait3A_109 : memref<128x128xf32, #tpu.memory_space<vmem>>)
        %dma_start3A_115 = arith.constant 0 : i32
        %dma_start3A_116 = arith.constant 0 : i32
        %dma_start3A_117 = tpu.memref_slice %arg13[%dma_start3A_115, %dma_start3A_116] : memref<256x128xf32, #tpu.memory_space<vmem>> -> memref<128x128xf32, #tpu.memory_space<vmem>>
        %dma_start3A_118 = arith.constant 512 : i32
        %dma_start3A_119 = tpu.memref_slice %arg11[%dma_start3A_118] : memref<1024xi32, #tpu.memory_space<vmem>> -> memref<128xi32, #tpu.memory_space<vmem>>
        %dma_start3A_120 = arith.constant 0 : i32
        %dma_start3A_121 = arith.constant 0 : i32
        %dma_start3A_122 = tpu.memref_slice %arg2[%dma_start3A_120, %dma_start3A_121] : memref<10008x128xf32, #tpu.memory_space<hbm>> -> memref<10008x128xf32, #tpu.memory_space<hbm>>
        tpu.enqueue_indirect_dma source(%dma_start3A_122 : memref<10008x128xf32, #tpu.memory_space<hbm>>) target(%dma_start3A_117 : memref<128x128xf32, #tpu.memory_space<vmem>>) offsets(%dma_start3A_119 : memref<128xi32, #tpu.memory_space<vmem>>) semaphore(%arg16 : memref<!tpu.dma_semaphore, #tpu.memory_space<semaphore_mem>>)
        %dma_start3A_123 = arith.constant 128 : i32
        %dma_start3A_124 = arith.constant 0 : i32
        %dma_start3A_125 = tpu.memref_slice %arg13[%dma_start3A_123, %dma_start3A_124] : memref<256x128xf32, #tpu.memory_space<vmem>> -> memref<128x128xf32, #tpu.memory_space<vmem>>
        %dma_start3A_126 = arith.constant 640 : i32
        %dma_start3A_127 = tpu.memref_slice %arg11[%dma_start3A_126] : memref<1024xi32, #tpu.memory_space<vmem>> -> memref<128xi32, #tpu.memory_space<vmem>>
        %dma_start3A_128 = arith.constant 0 : i32
        %dma_start3A_129 = arith.constant 0 : i32
        %dma_start3A_130 = tpu.memref_slice %arg2[%dma_start3A_128, %dma_start3A_129] : memref<10008x128xf32, #tpu.memory_space<hbm>> -> memref<10008x128xf32, #tpu.memory_space<hbm>>
        tpu.enqueue_indirect_dma source(%dma_start3A_130 : memref<10008x128xf32, #tpu.memory_space<hbm>>) target(%dma_start3A_125 : memref<128x128xf32, #tpu.memory_space<vmem>>) offsets(%dma_start3A_127 : memref<128xi32, #tpu.memory_space<vmem>>) semaphore(%arg16 : memref<!tpu.dma_semaphore, #tpu.memory_space<semaphore_mem>>)
        %dma_wait3A_131 = arith.constant 0 : i32
        %dma_wait3A_132 = arith.constant 0 : i32
        %dma_wait3A_133 = tpu.memref_slice %arg13[%dma_wait3A_131, %dma_wait3A_132] : memref<256x128xf32, #tpu.memory_space<vmem>> -> memref<128x128xf32, #tpu.memory_space<vmem>>
        %dma_wait3A_134 = arith.constant 512 : i32
        %dma_wait3A_135 = tpu.memref_slice %arg11[%dma_wait3A_134] : memref<1024xi32, #tpu.memory_space<vmem>> -> memref<128xi32, #tpu.memory_space<vmem>>
        %dma_wait3A_136 = arith.constant 0 : i32
        %dma_wait3A_137 = arith.constant 0 : i32
        %dma_wait3A_138 = tpu.memref_slice %arg2[%dma_wait3A_136, %dma_wait3A_137] : memref<10008x128xf32, #tpu.memory_space<hbm>> -> memref<10008x128xf32, #tpu.memory_space<hbm>>
        tpu.wait_indirect_dma semaphore(%arg16 : memref<!tpu.dma_semaphore, #tpu.memory_space<semaphore_mem>>) src(%dma_wait3A_138 : memref<10008x128xf32, #tpu.memory_space<hbm>>) dst(%dma_wait3A_133 : memref<128x128xf32, #tpu.memory_space<vmem>>)
        %dma_wait3A_139 = arith.constant 128 : i32
        %dma_wait3A_140 = arith.constant 0 : i32
        %dma_wait3A_141 = tpu.memref_slice %arg13[%dma_wait3A_139, %dma_wait3A_140] : memref<256x128xf32, #tpu.memory_space<vmem>> -> memref<128x128xf32, #tpu.memory_space<vmem>>
        %dma_wait3A_142 = arith.constant 640 : i32
        %dma_wait3A_143 = tpu.memref_slice %arg11[%dma_wait3A_142] : memref<1024xi32, #tpu.memory_space<vmem>> -> memref<128xi32, #tpu.memory_space<vmem>>
        %dma_wait3A_144 = arith.constant 0 : i32
        %dma_wait3A_145 = arith.constant 0 : i32
        %dma_wait3A_146 = tpu.memref_slice %arg2[%dma_wait3A_144, %dma_wait3A_145] : memref<10008x128xf32, #tpu.memory_space<hbm>> -> memref<10008x128xf32, #tpu.memory_space<hbm>>
        tpu.wait_indirect_dma semaphore(%arg16 : memref<!tpu.dma_semaphore, #tpu.memory_space<semaphore_mem>>) src(%dma_wait3A_146 : memref<10008x128xf32, #tpu.memory_space<hbm>>) dst(%dma_wait3A_141 : memref<128x128xf32, #tpu.memory_space<vmem>>)
        %dma_start3A_147 = arith.constant 0 : i32
        %dma_start3A_148 = arith.constant 0 : i32
        %dma_start3A_149 = tpu.memref_slice %arg13[%dma_start3A_147, %dma_start3A_148] : memref<256x128xf32, #tpu.memory_space<vmem>> -> memref<128x128xf32, #tpu.memory_space<vmem>>
        %dma_start3A_150 = arith.constant 768 : i32
        %dma_start3A_151 = tpu.memref_slice %arg11[%dma_start3A_150] : memref<1024xi32, #tpu.memory_space<vmem>> -> memref<128xi32, #tpu.memory_space<vmem>>
        %dma_start3A_152 = arith.constant 0 : i32
        %dma_start3A_153 = arith.constant 0 : i32
        %dma_start3A_154 = tpu.memref_slice %arg2[%dma_start3A_152, %dma_start3A_153] : memref<10008x128xf32, #tpu.memory_space<hbm>> -> memref<10008x128xf32, #tpu.memory_space<hbm>>
        tpu.enqueue_indirect_dma source(%dma_start3A_154 : memref<10008x128xf32, #tpu.memory_space<hbm>>) target(%dma_start3A_149 : memref<128x128xf32, #tpu.memory_space<vmem>>) offsets(%dma_start3A_151 : memref<128xi32, #tpu.memory_space<vmem>>) semaphore(%arg16 : memref<!tpu.dma_semaphore, #tpu.memory_space<semaphore_mem>>)
        %dma_start3A_155 = arith.constant 128 : i32
        %dma_start3A_156 = arith.constant 0 : i32
        %dma_start3A_157 = tpu.memref_slice %arg13[%dma_start3A_155, %dma_start3A_156] : memref<256x128xf32, #tpu.memory_space<vmem>> -> memref<128x128xf32, #tpu.memory_space<vmem>>
        %dma_start3A_158 = arith.constant 896 : i32
        %dma_start3A_159 = tpu.memref_slice %arg11[%dma_start3A_158] : memref<1024xi32, #tpu.memory_space<vmem>> -> memref<128xi32, #tpu.memory_space<vmem>>
        %dma_start3A_160 = arith.constant 0 : i32
        %dma_start3A_161 = arith.constant 0 : i32
        %dma_start3A_162 = tpu.memref_slice %arg2[%dma_start3A_160, %dma_start3A_161] : memref<10008x128xf32, #tpu.memory_space<hbm>> -> memref<10008x128xf32, #tpu.memory_space<hbm>>
        tpu.enqueue_indirect_dma source(%dma_start3A_162 : memref<10008x128xf32, #tpu.memory_space<hbm>>) target(%dma_start3A_157 : memref<128x128xf32, #tpu.memory_space<vmem>>) offsets(%dma_start3A_159 : memref<128xi32, #tpu.memory_space<vmem>>) semaphore(%arg16 : memref<!tpu.dma_semaphore, #tpu.memory_space<semaphore_mem>>)
        %dma_wait3A_163 = arith.constant 0 : i32
        %dma_wait3A_164 = arith.constant 0 : i32
        %dma_wait3A_165 = tpu.memref_slice %arg13[%dma_wait3A_163, %dma_wait3A_164] : memref<256x128xf32, #tpu.memory_space<vmem>> -> memref<128x128xf32, #tpu.memory_space<vmem>>
        %dma_wait3A_166 = arith.constant 768 : i32
        %dma_wait3A_167 = tpu.memref_slice %arg11[%dma_wait3A_166] : memref<1024xi32, #tpu.memory_space<vmem>> -> memref<128xi32, #tpu.memory_space<vmem>>
        %dma_wait3A_168 = arith.constant 0 : i32
        %dma_wait3A_169 = arith.constant 0 : i32
        %dma_wait3A_170 = tpu.memref_slice %arg2[%dma_wait3A_168, %dma_wait3A_169] : memref<10008x128xf32, #tpu.memory_space<hbm>> -> memref<10008x128xf32, #tpu.memory_space<hbm>>
        tpu.wait_indirect_dma semaphore(%arg16 : memref<!tpu.dma_semaphore, #tpu.memory_space<semaphore_mem>>) src(%dma_wait3A_170 : memref<10008x128xf32, #tpu.memory_space<hbm>>) dst(%dma_wait3A_165 : memref<128x128xf32, #tpu.memory_space<vmem>>)
        %dma_wait3A_171 = arith.constant 128 : i32
        %dma_wait3A_172 = arith.constant 0 : i32
        %dma_wait3A_173 = tpu.memref_slice %arg13[%dma_wait3A_171, %dma_wait3A_172] : memref<256x128xf32, #tpu.memory_space<vmem>> -> memref<128x128xf32, #tpu.memory_space<vmem>>
        %dma_wait3A_174 = arith.constant 896 : i32
        %dma_wait3A_175 = tpu.memref_slice %arg11[%dma_wait3A_174] : memref<1024xi32, #tpu.memory_space<vmem>> -> memref<128xi32, #tpu.memory_space<vmem>>
        %dma_wait3A_176 = arith.constant 0 : i32
        %dma_wait3A_177 = arith.constant 0 : i32
        %dma_wait3A_178 = tpu.memref_slice %arg2[%dma_wait3A_176, %dma_wait3A_177] : memref<10008x128xf32, #tpu.memory_space<hbm>> -> memref<10008x128xf32, #tpu.memory_space<hbm>>
        tpu.wait_indirect_dma semaphore(%arg16 : memref<!tpu.dma_semaphore, #tpu.memory_space<semaphore_mem>>) src(%dma_wait3A_178 : memref<10008x128xf32, #tpu.memory_space<hbm>>) dst(%dma_wait3A_173 : memref<128x128xf32, #tpu.memory_space<vmem>>)
        %scan3A_179 = arith.constant 0 : i32
        scf.yield %scan3A_179 : i32
      }
      %scan3A_36 = arith.constant 20 : i32
      %barrier3A_37 = arith.constant 0 : index
      tpu.barrier barrier_id(%barrier3A_37)
      %add3A_38 = arith.addi %add3A, %mul3A_2 : i32
      "tpu.region"() ({
        %run_scoped3A = tpu.sem_alloc : memref<!tpu.dma_semaphore, #tpu.memory_space<semaphore_mem>>
        %dma_start3A = arith.constant 0 : i32
        %dma_start3A_41 = tpu.memref_slice %arg6[%add3A_38, %dma_start3A] : memref<90112x128xf32, #tpu.memory_space<hbm>> -> memref<704x128xf32, #tpu.memory_space<hbm>>
        %dma_start3A_42 = arith.constant 0 : i32
        %dma_start3A_43 = tpu.memref_slice %arg15[%mul3A_2, %dma_start3A_42] : memref<11264x128xf32, #tpu.memory_space<vmem_shared>> -> memref<704x128xf32, #tpu.memory_space<vmem_shared>>
        tpu.enqueue_dma source(%dma_start3A_43 : memref<704x128xf32, #tpu.memory_space<vmem_shared>>) target(%dma_start3A_41 : memref<704x128xf32, #tpu.memory_space<hbm>>) target_semaphore(%run_scoped3A : memref<!tpu.dma_semaphore, #tpu.memory_space<semaphore_mem>>)
        %dma_wait3A = arith.constant 0 : i32
        %dma_wait3A_44 = tpu.memref_slice %arg6[%add3A_38, %dma_wait3A] : memref<90112x128xf32, #tpu.memory_space<hbm>> -> memref<704x128xf32, #tpu.memory_space<hbm>>
        %dma_wait3A_45 = arith.constant 0 : i32
        %dma_wait3A_46 = tpu.memref_slice %arg15[%mul3A_2, %dma_wait3A_45] : memref<11264x128xf32, #tpu.memory_space<vmem_shared>> -> memref<704x128xf32, #tpu.memory_space<vmem_shared>>
        tpu.wait_dma2 semaphore(%run_scoped3A : memref<!tpu.dma_semaphore, #tpu.memory_space<semaphore_mem>>) src(%dma_wait3A_46 : memref<704x128xf32, #tpu.memory_space<vmem_shared>>) dst(%dma_wait3A_44 : memref<704x128xf32, #tpu.memory_space<hbm>>)
        tpu.yield
      }) : () -> ()
      %barrier3A_39 = arith.constant 0 : index
      tpu.barrier barrier_id(%barrier3A_39)
      %scan3A_40 = arith.constant 0 : i32
      scf.yield %scan3A_40 : i32
    }
    %scan3A_16 = arith.constant 4 : i32
    return
  }
}

module attributes {stable_mosaic.version = 14 : i64} {
  func.func @body(%arg0: i32, %arg1: memref<1000x128xf32, #tpu.memory_space<vmem>>, %arg2: memref<1000x1xf32, #tpu.memory_space<vmem>>, %arg3: memref<1000x128xf32, #tpu.memory_space<vmem>>) attributes {dimension_semantics = [#tpu.dimension_semantics<arbitrary>], iteration_bounds = array<i64: 10>, scalar_prefetch = 0 : i64, scratch_operands = 0 : i64, tpu.core_type = #tpu.core_type<tc>, window_params = [{transform_indices = @transform_0, window_bounds = array<i64: 1000, 128>}, {transform_indices = @transform_1, window_bounds = array<i64: 1000, 1>}, {transform_indices = @transform_2, window_bounds = array<i64: 1000, 128>}]} {
    %get3A = arith.constant 0 : index
    %get3A_0 = arith.constant 0 : index
    %get3A_1 = vector.load %arg1[%get3A, %get3A_0] : memref<1000x128xf32, #tpu.memory_space<vmem>>, vector<1000x128xf32>
    %get3A_2 = arith.constant 0 : index
    %get3A_3 = arith.constant 0 : index
    %get3A_4 = vector.load %arg2[%get3A_2, %get3A_3] : memref<1000x1xf32, #tpu.memory_space<vmem>>, vector<1000x1xf32>
    %mul3A = vector.broadcast %get3A_4 : vector<1000x1xf32> to vector<1000x128xf32>
    %mul3A_5 = arith.mulf %get3A_1, %mul3A : vector<1000x128xf32>
    %swap3A = arith.constant 0 : index
    %swap3A_6 = arith.constant 0 : index
    %swap3A_7 = vector.load %arg3[%swap3A, %swap3A_6] : memref<1000x128xf32, #tpu.memory_space<vmem>>, vector<1000x128xf32>
    tpu.vector_store %arg3[%swap3A, %swap3A_6], %mul3A_5 {strides = array<i32>} : memref<1000x128xf32, #tpu.memory_space<vmem>>, vector<1000x128xf32>,
    return
  }
  func.func @transform_0(%arg0: i32) -> (i32, i32) {
    %c0_i32 = arith.constant 0 : i32
    %c0_i32_0 = arith.constant 0 : i32
    return %arg0, %c0_i32 : i32, i32
  }
  func.func @transform_1(%arg0: i32) -> (i32, i32) {
    %c0_i32 = arith.constant 0 : i32
    %c0_i32_0 = arith.constant 0 : i32
    return %arg0, %c0_i32 : i32, i32
  }
  func.func @transform_2(%arg0: i32) -> (i32, i32) {
    %c0_i32 = arith.constant 0 : i32
    %c0_i32_0 = arith.constant 0 : i32
    return %arg0, %c0_i32 : i32, i32
  }
}

module attributes {stable_mosaic.version = 14 : i64} {
  func.func @body(%arg0: i32, %arg1: i32, %arg2: memref<1x1000x128xf32, #tpu.memory_space<vmem>>, %arg3: memref<1x128x128xf32, #tpu.memory_space<vmem>>, %arg4: memref<1000x1xf32, #tpu.memory_space<vmem>>, %arg5: memref<1000x128xf32, #tpu.memory_space<vmem>>) attributes {dimension_semantics = [#tpu.dimension_semantics<arbitrary>, #tpu.dimension_semantics<arbitrary>], iteration_bounds = array<i64: 9, 10>, scalar_prefetch = 0 : i64, scratch_operands = 0 : i64, tpu.core_type = #tpu.core_type<tc>, window_params = [{transform_indices = @transform_0, window_bounds = array<i64: 1, 1000, 128>}, {transform_indices = @transform_1, window_bounds = array<i64: 1, 128, 128>}, {transform_indices = @transform_2, window_bounds = array<i64: 1000, 1>}, {transform_indices = @transform_3, window_bounds = array<i64: 1000, 128>}]} {
    %get3A = arith.constant 0 : index
    %get3A_0 = arith.constant 0 : index
    %get3A_1 = arith.constant 0 : index
    %get3A_2 = vector.load %arg2[%get3A, %get3A_0, %get3A_1] : memref<1x1000x128xf32, #tpu.memory_space<vmem>>, vector<1x1000x128xf32>
    %get3A_3 = vector.shape_cast %get3A_2 : vector<1x1000x128xf32> to vector<1000x128xf32>
    %get3A_4 = arith.constant 0 : index
    %get3A_5 = arith.constant 0 : index
    %get3A_6 = arith.constant 0 : index
    %get3A_7 = vector.load %arg3[%get3A_4, %get3A_5, %get3A_6] : memref<1x128x128xf32, #tpu.memory_space<vmem>>, vector<1x128x128xf32>
    %get3A_8 = vector.shape_cast %get3A_7 : vector<1x128x128xf32> to vector<128x128xf32>
    %dot_general3A = arith.constant dense<0.000000e+00> : vector<1000x128xf32>
    %dot_general3A_9 = tpu.matmul %get3A_3, %get3A_8, %dot_general3A {dimension_numbers = #tpu.dot_dimension_numbers<[1], [1], [0], [0], [0, 0, 1, 0], [], []>, transpose_lhs_hint = false} : vector<1000x128xf32>, vector<128x128xf32>, vector<1000x128xf32> -> vector<1000x128xf32>
    %get3A_10 = arith.constant 0 : index
    %get3A_11 = arith.constant 0 : index
    %get3A_12 = vector.load %arg4[%get3A_10, %get3A_11] : memref<1000x1xf32, #tpu.memory_space<vmem>>, vector<1000x1xf32>
    %mul3A = vector.broadcast %get3A_12 : vector<1000x1xf32> to vector<1000x128xf32>
    %mul3A_13 = arith.mulf %dot_general3A_9, %mul3A : vector<1000x128xf32>
    %max3A = arith.constant 0.000000e+00 : f32
    %max3A_14 = vector.broadcast %max3A : f32 to vector<1000x128xf32>
    %max3A_15 = arith.maximumf %mul3A_13, %max3A_14 : vector<1000x128xf32>
    %swap3A = arith.constant 0 : index
    %swap3A_16 = arith.constant 0 : index
    %swap3A_17 = vector.load %arg5[%swap3A, %swap3A_16] : memref<1000x128xf32, #tpu.memory_space<vmem>>, vector<1000x128xf32>
    tpu.vector_store %arg5[%swap3A, %swap3A_16], %max3A_15 {strides = array<i32>} : memref<1000x128xf32, #tpu.memory_space<vmem>>, vector<1000x128xf32>,
    return
  }
  func.func @transform_0(%arg0: i32, %arg1: i32) -> (i32, i32, i32) {
    %c0_i32 = arith.constant 0 : i32
    %c0_i32_0 = arith.constant 0 : i32
    return %arg0, %arg1, %c0_i32 : i32, i32, i32
  }
  func.func @transform_1(%arg0: i32, %arg1: i32) -> (i32, i32, i32) {
    %c0_i32 = arith.constant 0 : i32
    %c0_i32_0 = arith.constant 0 : i32
    %c0_i32_1 = arith.constant 0 : i32
    return %arg0, %c0_i32, %c0_i32_0 : i32, i32, i32
  }
  func.func @transform_2(%arg0: i32, %arg1: i32) -> (i32, i32) {
    %c0_i32 = arith.constant 0 : i32
    %c0_i32_0 = arith.constant 0 : i32
    return %arg1, %c0_i32 : i32, i32
  }
  func.func @transform_3(%arg0: i32, %arg1: i32) -> (i32, i32) {
    %c0_i32 = arith.constant 0 : i32
    return %arg1, %arg0 : i32, i32
  }
}

</mosaic_0001>

<sc_bundles>
// kernel: kernel.5.cloned.1.call-start
scs
__scs_entry_jumppad:
0x0: {  	(pc) =	sbr.rel $0x88, $3  }
0x1: {  	(tag) =	ssettag $0x0;
	lr =	simm.s32 $0x1  }
0x2: {  	[smem:$0x3F9C] =	sst lr;
	_ =	strace $0xD0000000  }
0x3: {  	_ = 	snop  }
0x4: {  	_ = 	snop  }
0x5: {  	_ = 	snop  }
0x6: {  	_ = 	snop  }
0x7: {  	_ = 	snop  }
__scs_overlays_trampoline_lowered:
0x8: {  	[smem:$0x3FAB] =	sst s0  }
0x9: {  	[smem:$0x3FAC] =	sst s1  }
0xa: {  	[smem:$0x3FAD] =	sst s2  }
0xb: {  	[smem:$0x3FAE] =	sst s3  }
0xc: {  	[smem:$0x3FAF] =	sst s4  }
0xd: {  	[smem:$0x3FB0] =	sst s5  }
0xe: {  	[smem:$0x3FB1] =	sst s6  }
0xf: {  	[smem:$0x3FB2] =	sst s7  }
0x10: {  	[smem:$0x3FB3] =	sst s8  }
0x11: {  	[smem:$0x3FB4] =	sst s9;
	s0 =	simm.s32 @!p0 $0x0  }
0x12: {  	s1 =	sld [smem:$0x3F9A];
	s0 =	simm.s32 @p0 $0x1  }
0x13: {  	[smem:$0x3FB5] =	sst s0;
	s0 =	simm.s32 @!p1 $0x0  }
0x14: {  	s2 =	sld [smem:$0x3F99];
	s0 =	simm.s32 @p1 $0x1  }
0x15: {  	[smem:$0x3FB6] =	sst s0;
	s0 =	simm.s32 @!p2 $0x0  }
0x16: {  	s3 =	sld [smem:$0x3FDB];
	s0 =	simm.s32 @p2 $0x1  }
0x17: {  	s4 =	simm.s32 $0x1BF5;
	[smem:$0x3FB8] =	sst s0  }
0x18: {  	s0 =	sld [smem:$0x3F9B];
	_ =	swait.ge [sflag:s4], $0x0  }
0x19: {  	s7 =	sld [smem:$0x3F9C]  }
0x1a: {  	s8 =	sadd.s32 $0xFFFFE003, lr  }
0x1b: {  	s9 =	sadd.s32 $0xFFFFFEF7, lr;
	s5 =	simm.s32 $0xFFFFFFFF;
	p2 =	slt.u32 s8, $0xFFFFF086  }
0x1c: {  	p1 =	slt.u32 s9, $0xF7A;
	s5 =	simm.s32 @!p2 $0x0  }
0x1d: {  	s5 =	simm.s32 @p1 $0x1;
	p0 =	seq.s32 s7, s2  }
0x1e: {  	s7 =	smul.u32 @!p0 $0xF7A, s2;
	p2 =	seq.s32 @!p0 s5, $0x0  }
0x1f: {  	s9 =	smul.u32 $0xF7A, s1;
	s8 =	simm.s32 @!p0 $0x1BF5;
	p2 =	por !p2, p0  }
0x20: {  	[sflag:s8] =	ssyncset.s32 @!p0 $0xFFFFF086;
	s6 =	sadd.s32 @!p0 s3, s7;
	s7 =	simm.s32 @!p0 $0x108  }
0x21: {  	s3 =	sadd.s32 s3, s9;
	s6 =	sadd.s32 @!p0 $0x88, s6;
	s7 =	simm.s32 @p2 $0x1082  }
0x22: {  	[simem:s7], [sflag:s8] =	dma.local @!p0 [hbm:s6], $0xF7A  }
0x23: {  	s9 =	sor.u32 $0xD0000000, s2;
	s6 =	simm.s32 $0x108;
	_ =	swait.ge @!p0 [sflag:s8], $0x0  }
0x24: {  	s3 =	sadd.s32 $0x88, s3;
	s6 =	simm.s32 @!p1 $0x1082;
	[sflag:s4] =	ssyncset.s32 $0xFFFFF086  }
0x25: {  	[simem:s6], [sflag:s4] =	dma.local [hbm:s3], $0xF7A  }
0x26: {  	[smem:$0x3F9C] =	sst s1;
	(tag) =	ssettag s2;
	_ =	strace s9  }
0x27: {  	s1 =	sld [smem:$0x3FAC]  }
0x28: {  	s2 =	sld [smem:$0x3FAD]  }
0x29: {  	s4 =	sld [smem:$0x3FAF]  }
0x2a: {  	p0 =	seq.s32 s5, $0x0;
	s5 =	sld [smem:$0x3FB0]  }
0x2b: {  	s6 =	sld [smem:$0x3FB1]  }
0x2c: {  	s7 =	sld [smem:$0x3FB2]  }
0x2d: {  	s3 =	simm.s32 $0x108;
	s8 =	sld [smem:$0x3FB3]  }
0x2e: {  	s3 =	simm.s32 @!p0 $0x1082;
	s9 =	sld [smem:$0x3FB4]  }
0x2f: {  	lr =	sadd.s32 s0, s3;
	s0 =	sld [smem:$0x3FAB]  }
0x30: {  	s3 =	sld [smem:$0x3FAE]  }
0x31: {  	[smem:$0x3FB7] =	sst s10  }
0x32: {  	s10 =	sld [smem:$0x3FB5];
	_ =	sdelay $0x3  }
0x33: {  	p0 =	seq.s32 s10, $0x1;
	s10 =	sld [smem:$0x3FB7];
	_ =	sdelay $0x3  }
0x34: {  	[smem:$0x3FB7] =	sst s10  }
0x35: {  	s10 =	sld [smem:$0x3FB6];
	_ =	sdelay $0x3  }
0x36: {  	p1 =	seq.s32 s10, $0x1;
	s10 =	sld [smem:$0x3FB7];
	_ =	sdelay $0x3  }
0x37: {  	[smem:$0x3FB7] =	sst s10  }
0x38: {  	s10 =	sld [smem:$0x3FB8]  }
0x39: {  	_ = 	snop;
	(pc) =	sbr.ind lr, $3  }
0x3a: {  	_ = 	snop  }
0x3b: {  	_ = 	snop  }
0x3c: {  	p2 =	seq.s32 s10, $0x1;
	s10 =	sld [smem:$0x3FB7]  }
0x3d: {  	_ =	shalt  }
0x3e: {  	_ =	shalt  }
0x3f: {  	_ =	shalt  }
0x40: {  	_ =	shalt  }
0x41: {  	_ =	shalt  }
0x42: {  	_ =	shalt  }
0x43: {  	_ =	shalt  }
0x44: {  	_ =	shalt  }
0x45: {  	_ =	shalt  }
0x46: {  	_ =	shalt  }
0x47: {  	_ =	shalt  }
0x48: {  	_ =	shalt  }
0x49: {  	_ =	shalt  }
0x4a: {  	_ =	shalt  }
0x4b: {  	_ =	shalt  }
0x4c: {  	_ =	shalt  }
0x4d: {  	_ =	shalt  }
0x4e: {  	_ =	shalt  }
0x4f: {  	_ =	shalt  }
0x50: {  	_ =	shalt  }
0x51: {  	_ =	shalt  }
0x52: {  	_ =	shalt  }
0x53: {  	_ =	shalt  }
0x54: {  	_ =	shalt  }
0x55: {  	_ =	shalt  }
0x56: {  	_ =	shalt  }
0x57: {  	_ =	shalt  }
0x58: {  	_ =	shalt  }
0x59: {  	_ =	shalt  }
0x5a: {  	_ =	shalt  }
0x5b: {  	_ =	shalt  }
0x5c: {  	_ =	shalt  }
0x5d: {  	_ =	shalt  }
0x5e: {  	_ =	shalt  }
0x5f: {  	_ =	shalt  }
0x60: {  	_ =	shalt  }
0x61: {  	_ =	shalt  }
0x62: {  	_ =	shalt  }
0x63: {  	_ =	shalt  }
0x64: {  	_ =	shalt  }
0x65: {  	_ =	shalt  }
0x66: {  	_ =	shalt  }
0x67: {  	_ =	shalt  }
0x68: {  	_ =	shalt  }
0x69: {  	_ =	shalt  }
0x6a: {  	_ =	shalt  }
0x6b: {  	_ =	shalt  }
0x6c: {  	_ =	shalt  }
0x6d: {  	_ =	shalt  }
0x6e: {  	_ =	shalt  }
0x6f: {  	_ =	shalt  }
0x70: {  	_ =	shalt  }
0x71: {  	_ =	shalt  }
0x72: {  	_ =	shalt  }
0x73: {  	_ =	shalt  }
0x74: {  	_ =	shalt  }
0x75: {  	_ =	shalt  }
0x76: {  	_ =	shalt  }
0x77: {  	_ =	shalt  }
0x78: {  	_ =	shalt  }
0x79: {  	_ =	shalt  }
0x7a: {  	_ =	shalt  }
0x7b: {  	_ =	shalt  }
0x7c: {  	_ =	shalt  }
0x7d: {  	_ =	shalt  }
0x7e: {  	_ =	shalt  }
0x7f: {  	_ =	shalt  }
0x80: {  	_ =	shalt  }
0x81: {  	_ =	shalt  }
0x82: {  	_ =	shalt  }
0x83: {  	_ =	shalt  }
0x84: {  	_ =	shalt  }
0x85: {  	_ =	shalt  }
0x86: {  	_ =	shalt  }
0x87: {  	_ =	shalt  }
.Lfunc_end0:
.L_simem_size_0:
called_computation_lowered:
.L_overlay_start_0:
0x88: {  	s2 =	sld [smem:$0x3FD9]  }
0x89: {  	s3 =	sld [smem:$0x3FFE];
	_ =	sdelay $0x1  }
0x8a: {  	s1 =	srdreg.scid  }
0x8b: {  	s0 =	sand.u32 $0x1, s1  }
0x8c: {  	s17 =	sshll.u32 s0, $0xA;
	s2 =	sadd.s32 s3, s2  }
0x8d: {  	s2 =	sadd.s32 s2, s17  }
0x8e: {  	[smem:$0x3FC3] =	sst s2  }
0x8f: {  	_ = 	snop  }
0x90: {  	s2 =	sld [smem:$0x3FD0];
	(tm) =	ssettm $0x1  }
0x91: {  	s18 =	sld [smem:$0x3FFB];
	_ =	sdelay $0x3  }
0x92: {  	_ =	strace s18  }
0x93: {  	s3 =	sld [smem:$0x3FFC];
	_ =	sdelay $0x3  }
0x94: {  	_ =	strace s3  }
0x95: {  	s3 =	sld [smem:$0x3FFD];
	_ =	sdelay $0x3  }
0x96: {  	_ =	strace s3  }
0x97: {  	_ =	strace $0x8FFFFFFF  }
0x98: {  	s19 =	sld [smem:$0x3FDB];
	_ =	sdelay $0x1  }
0x99: {  	s4 =	simm.s32 $_scs_section_size  }
0x9a: {  	s5 =	simm.s32 $_size__tile_overlayer_lowered;
	s6 =	simm.s32 $_tile_overlayer_lowered  }
0x9b: {  	s22 =	simm.s32 $0x1BFF;
	s21 =	sshll.u32 s6, $0x1;
	s3 =	sadd.s32 s4, s19  }
0x9c: {  	s7 =	simm.s32 $0x0;
	s20 =	sshll.u32 s5, $0x1;
	s5 =	sadd.s32 s21, s3  }
0x9d: {  	[timem:s7], [sflag:s22] =	dma.local [hbm:s5], s20  }
0x9e: {  	_ =	swait.ge [sflag:s22], s20  }
0x9f: {  	s4 =	ssub.s32 $0x0, s20;
	[sflag:s22] =	ssyncset.done $0x0  }
0xa0: {  	[sflag:s22] =	ssyncadd.s32 s4;
	_ =	sdelay $0x1  }
0xa1: {  	s23 =	simm.s32 $0x1B8B  }
0xa2: {  	_ =	swait.ge [sflag:s23], $0x1  }
0xa3: {  	[sflag:s23] =	ssyncset.done $0x0  }
0xa4: {  	s25 =	simm.s32 $0x1B8E;
	s24 =	sld [smem:$0x3FFE];
	[sflag:s23] =	ssyncadd.s32 $0xFFFFFFFF  }
0xa5: {  	s26 =	simm.s32 $execute0_lowered;
	[smem:$0x3FD2] =	sst s25  }
0xa6: {  	s5 =	sshll.u32 s26, $0x1;
	_ =	strace $0x80000046;
	[dreg:$0x1] =	wrdreg $0xFFFFFFFF  }
0xa7: {  	s28 =	simm.s32 $_size_execute0_lowered;
	s3 =	sadd.s32 s3, s5;
	[dreg:$0x0] =	wrdreg $0x0  }
0xa8: {  	s5 =	sshll.u32 s28, $0x1;
	[dreg:$0x2] =	wrdreg s3  }
0xa9: {  	[dreg:$0x3] =	wrdreg s5  }
0xaa: {  	[dreg:$0x4] =	wrdreg $0xC0  }
0xab: {  	_ =	task [dreg:s7], $0x5FFFF  }
0xac: {  	[dreg:$0x1] =	wrdreg $0xFFFFFFFF  }
0xad: {  	[dreg:$0x0] =	wrdreg $0x60  }
0xae: {  	[dreg:$0x2] =	wrdreg s2  }
0xaf: {  	[dreg:$0x3] =	wrdreg s24  }
0xb0: {  	[dreg:$0x4] =	wrdreg $0xA0000  }
0xb1: {  	[dreg:$0x5] =	wrdreg $0x9  }
0xb2: {  	_ =	task.clear_ibuf [dreg:s7], $0x6FFFF;
	_ =	strace $0x90000046  }
0xb3: {  	s29 =	simm.s32 $0x9;
	_ =	strace $0x80000048  }
0xb4: {  	_ =	swait.ge [sflag:s29], $0x1  }
0xb5: {  	[sflag:s29] =	ssyncadd.s32 $0xFFFFFFFF  }
0xb6: {  	_ =	strace $0x90000048  }
0xb7: {  	_ =	sfence  }
0xb8: {  	s30 =	sld [smem:$0x0];
	_ =	sdelay $0x2  }
0xb9: {  	s31 =	sshll.u32 s1, $0xD;
	s1 =	sshrl.u32 s1, $0x2  }
0xba: {  	s3 =	sand.u32 $0x4000, s31;
	s1 =	sadd.s32 s1, s30  }
0xbb: {  	s0 =	sor.u32 s3, s0;
	s1 =	sshll.u32 s1, $0x11  }
0xbc: {  	s0 =	sor.u32 s1, s0  }
0xbd: {  	s0 =	sadd.s32 $0x8F2B, s0  }
0xbe: {  	[sflag:s0] =	ssyncadd.remote.s32 $0x1  }
0xbf: {  	_ =	sfence.sel $0xFFFF  }
0xc0: {  	[dreg:$0x0] =	wrdreg $0xFFFFFFFF;
	(pc) =	sbr.abs _section_cstart, $3  }
0xc1: {  	[dreg:$0x1] =	wrdreg $0xFFFFFFFF  }
0xc2: {  	_ =	task.clear_ibuf [dreg:s7], $0x2FFFF;
	_ =	strace $0x9FFFFFFF  }
0xc3: {  	(tm) =	ssettm $0x7FFFFFFF  }
tec
execute0_lowered:
.L_overlay_start_1:
0x0: {  	(tag) =	ssettag $0x1  }
0x1: {  	s1 =	rddreg [dreg:$0x0]  }
0x2: {  	s0 =	rddreg [dreg:$0x1]  }
0x3: {  	s2 =	rddreg [dreg:$0x2]  }
0x4: {  	s12 =	simm.s32 $0x0;
	s3 =	srdreg.scid;
	s10 =	stileid.u32  }
0x5: {  	s13 =	simm.s32 $0x9800;
	s14 =	simm.s32 $0x2;
	s15 =	simm.s32 $0x400  }
0x6: {  	s16 =	simm.s32 $0x800;
	s17 =	simm.s32 $0x80;
	s18 =	simm.s32 $0x1000  }
0x7: {  	s19 =	simm.s32 $0x1800;
	s20 =	simm.s32 $0x1080;
	s21 =	simm.s32 $0x5800  }
0x8: {  	s22 =	simm.s32 $0x1;
	s23 =	simm.s32 $0x1100;
	s24 =	simm.s32 $0x1180  }
0x9: {  	s25 =	simm.s32 $0x1200;
	s26 =	simm.s32 $0x1280;
	s28 =	simm.s32 $0x1300  }
0xa: {  	s29 =	simm.s32 $0x1380;
	[smem:$0x7FF] =	sst s12;
	s4 =	sadd.s32 $0x14A00, s0  }
0xb: {  	s5 =	sadd.s32 $0xAA00, s0;
	s3 =	sand.u32 $0x1, s3;
	s6 =	smul.u32 $0x5000, s10  }
0xc: {  	s7 =	sadd.s32 $0xA00, s0;
	s9 =	smul.u32 $0x58000, s10;
	s8 =	ssub.s32 $0x2, s3  }
0xd: {  	s0 =	sadd.s32 $0x1EA00, s0;
	s10 =	smul.u32 $0x2C0, s10;
	s30 =	sshrl.u32 s8, $0x1  }
0xe: {  	_ =	strace $0x80000047;
	[dreg:$0x5] =	wrdreg s0;
	s0 =	ssub.s32 s8, s30  }
0xf: {  	[dreg:$0x6] =	wrdreg s10;
	s31 =	sshrl.u32 s9, $0x2;
	s0 =	smax.u32 s0, $0x1  }
0x10: {  	v0 =	vimm.f32 $0.0e+00;
	s10 =	smul.u32 $0xB000, s3;
	s11 =	sadd.s32 s31, s2;
	[dreg:$0x7] =	wrdreg s0  }
.LBB2_1:
0x11: {  	[dreg:$0x4] =	wrdreg s12;
	s0 =	simm.s32 $0x0;
	s2 =	simm.s32 $0x200  }
.LBB2_2:
0x12: {  	p0 =	sne.s32 s2, $0x1E00;
	[tilespmem:s0+$0x9870] =	vst v0  }
0x13: {  	[tilespmem:s0+$0x9800] =	vst v0  }
0x14: {  	[tilespmem:s0+$0x9810] =	vst v0  }
.Ltmp0:
0x15: {  	[tilespmem:s0+$0x9820] =	vst v0;
	(pc) =	sbr.rel @p0 .LBB2_2-.Ltmp0, $4  }
0x16: {  	[tilespmem:s0+$0x9830] =	vst v0  }
0x17: {  	[tilespmem:s0+$0x9840] =	vst v0  }
0x18: {  	[tilespmem:s0+$0x9850] =	vst v0  }
0x19: {  	[tilespmem:s0+$0x9860] =	vst v0;
	s0 =	sshra.s32 s2, $0x2;
	s2 =	sadd.s32 $0x200, s2  }
0x1a: {  	[tilespmem:s0+$0x9870] =	vst v0  }
0x1b: {  	[tilespmem:s0+$0x9800] =	vst v0  }
0x1c: {  	[tilespmem:s0+$0x9810] =	vst v0  }
0x1d: {  	[tilespmem:s0+$0x9820] =	vst v0  }
0x1e: {  	[tilespmem:s0+$0x9830] =	vst v0  }
0x1f: {  	[tilespmem:s0+$0x9840] =	vst v0  }
0x20: {  	[tilespmem:s0+$0x9850] =	vst v0  }
0x21: {  	s30 =	simm.s32 $0x0;
	[tilespmem:s0+$0x9860] =	vst v0  }
.LBB2_4:
0x22: {  	s0 =	sadd.s32 $0x0, s11  }
0x23: {  	[spmem:s0] =	stream.linear.scatter [tilespmem:s13], [sflag:$0x2], $0x800, $0x38;
	v63 =	vld [tilespmem:$0x0]  }
0x24: {  	s0 =	simm.s32 $0x2000;
	_ =	swait.ge [sflag:s14], $0x800  }
.LBB2_5:
0x25: {  	s2 =	sshra.s32 s0, $0x2;
	[sflag:s14] =	ssyncset.done $0x0;
	p0 =	sne.s32 s0, $0x56000  }
.Ltmp1:
0x26: {  	s2 =	sadd.s32 s2, s11;
	[sflag:s14] =	ssyncadd.s32 $0xFFFFF800;
	(pc) =	sbr.rel @p0 .LBB2_5-.Ltmp1, $3  }
0x27: {  	[spmem:s2] =	stream.linear.scatter [tilespmem:s13], [sflag:$0x2], $0x800, $0x38;
	v63 =	vld [tilespmem:$0x0]  }
0x28: {  	s0 =	sadd.s32 $0x2000, s0;
	_ =	sdelay $0x1  }
0x29: {  	_ =	swait.ge [sflag:s14], $0x800  }
0x2a: {  	s0 =	smul.u32 $0x2C00, s30;
	_ =	sdelay $0x1  }
0x2b: {  	s31 =	sadd.s32 s10, s0  }
0x2c: {  	[sflag:s14] =	ssyncset.done $0x0;
	v1 =	vmov s31  }
0x2d: {  	[sflag:s14] =	ssyncadd.s32 $0xFFFFF800;
	v1 =	vsub.s32 $0x0, v1  }
0x2e: {  	s12 =	simm.s32 $0x0;
	[bflag:$0x0] =	sbarrier.arrive $0xFFFF;
	s0 =	simm.s32 $0x0;
	v1 =	vbroadcast v1, $0x0  }
.LBB2_7:
0x2f: {  	s2 =	sshll.u32 s12, $0xA  }
0x30: {  	s2 =	sadd.s32 s6, s2  }
0x31: {  	s2 =	sshrl.u32 s2, $0x3  }
0x32: {  	s3 =	sadd.s32 s4, s2  }
0x33: {  	[tilespmem:s0], [sflag:$0x2] =	stream.linear.gather [hbm4b:s3+s0], $0x400, $0x38;
	v63 =	vld [tilespmem:$0x0]  }
0x34: {  	_ =	swait.ge [sflag:s14], $0x400  }
0x35: {  	[sflag:s14] =	ssyncset.done $0x0  }
0x36: {  	s9 =	sadd.s32 s5, s2;
	[sflag:s14] =	ssyncadd.s32 $0xFFFFFC00  }
0x37: {  	[tilespmem:s15], [sflag:$0x2] =	stream.linear.gather [hbm4b:s9+s0], $0x400, $0x38;
	v63 =	vld [tilespmem:$0x0]  }
0x38: {  	_ =	swait.ge [sflag:s14], $0x400  }
0x39: {  	[sflag:s14] =	ssyncset.done $0x0  }
0x3a: {  	s2 =	sadd.s32 s7, s2;
	[sflag:s14] =	ssyncadd.s32 $0xFFFFFC00  }
0x3b: {  	[tilespmem:s16], [sflag:$0x2] =	stream.linear.gather [hbm4b:s2+s0], $0x400, $0x38;
	v63 =	vld [tilespmem:$0x0]  }
0x3c: {  	_ =	swait.ge [sflag:s14], $0x400  }
0x3d: {  	[sflag:s14] =	ssyncset.done $0x0  }
0x3e: {  	s3 =	simm.s32 $0x0;
	[sflag:s14] =	ssyncadd.s32 $0xFFFFFC00  }
0x3f: {  	v2 =	vld [tilespmem:s3+$0x870]  }
0x40: {  	v3 =	vld [tilespmem:s3+$0x470]  }
0x41: {  	v4 =	vld [tilespmem:s3+$0x800]  }
0x42: {  	v5 =	vld [tilespmem:s3+$0x810]  }
0x43: {  	v6 =	vld [tilespmem:s3+$0x820]  }
0x44: {  	v7 =	vld [tilespmem:s3+$0x830]  }
0x45: {  	v8 =	vld [tilespmem:s3+$0x840]  }
0x46: {  	v9 =	vld [tilespmem:s3+$0x850]  }
0x47: {  	v11 =	vld [tilespmem:s3+$0x400]  }
0x48: {  	v12 =	vld [tilespmem:s3+$0x430]  }
0x49: {  	v13 =	vld [tilespmem:s3+$0x440]  }
0x4a: {  	v14 =	vld [tilespmem:s3+$0x450];
	v2 =	vmul.u32 $0x2710, v2  }
0x4b: {  	v15 =	vld [tilespmem:s3+$0x460];
	v3 =	vadd.s32 v1, v3  }
0x4c: {  	v16 =	vld [tilespmem:s3+$0x0];
	v2 =	vadd.s32 v2, v3  }
0x4d: {  	v17 =	vld [tilespmem:s3+$0x10];
	vm1 =	vlt.u32 v2, $0x2C00;
	v10 =	vand.u32 $0x1FFF, v2  }
0x4e: {  	v4 =	vmul.u32 $0x2710, v4;
	v2 =	vsel vm1, v2, v10;
	v10 =	vld [tilespmem:s3+$0x410]  }
0x4f: {  	v18 =	vld [tilespmem:s3+$0x20];
	v11 =	vadd.s32 v1, v11  }
0x50: {  	v19 =	vld [tilespmem:s3+$0x30];
	v4 =	vadd.s32 v4, v11  }
0x51: {  	s2 =	simm.s32 $0x80;
	vm0 =	vlt.u32 v4, $0x2C00;
	[tilespmem:s3+$0x1470] =	vst v2;
	v2 =	vld [tilespmem:s3+$0x420]  }
0x52: {  	v5 =	vmul.u32 $0x2710, v5;
	v16 =	vnsel vm0, $0x2710, v16;
	v23 =	vld [tilespmem:s2+$0x870]  }
0x53: {  	v24 =	vld [tilespmem:s2+$0x470];
	[tilespmem:s3+$0xC00] =	vst v16;
	v10 =	vadd.s32 v1, v10  }
0x54: {  	v25 =	vld [tilespmem:s2+$0x800];
	[tilespmem:s3+$0x1000] =	vst v16;
	v16 =	vand.u32 $0x1FFF, v4;
	v5 =	vadd.s32 v5, v10  }
0x55: {  	v20 =	vld [tilespmem:s3+$0x40];
	v4 =	vsel vm0, v4, v16;
	vm0 =	vlt.u32 v5, $0x2C00  }
0x56: {  	v6 =	vmul.u32 $0x2710, v6;
	v16 =	vld [tilespmem:s2+$0x810];
	[tilespmem:s3+$0x1400] =	vst v4;
	v4 =	vnsel vm0, $0x2710, v17  }
0x57: {  	v2 =	vadd.s32 v1, v2;
	v17 =	vld [tilespmem:s2+$0x820];
	[tilespmem:s3+$0xC10] =	vst v4  }
0x58: {  	v2 =	vadd.s32 v6, v2;
	v26 =	vld [tilespmem:s2+$0x830];
	[tilespmem:s3+$0x1010] =	vst v4;
	v4 =	vand.u32 $0x1FFF, v5  }
0x59: {  	v3 =	vld [tilespmem:s3+$0x860];
	v4 =	vsel vm0, v5, v4;
	vm0 =	vlt.u32 v2, $0x2C00  }
0x5a: {  	v5 =	vld [tilespmem:s2+$0x840];
	[tilespmem:s3+$0x1410] =	vst v4;
	v4 =	vnsel vm0, $0x2710, v18  }
0x5b: {  	v6 =	vld [tilespmem:s2+$0x850];
	[tilespmem:s3+$0xC20] =	vst v4  }
0x5c: {  	v10 =	vmul.u32 $0x2710, v23;
	v18 =	vld [tilespmem:s2+$0x860];
	[tilespmem:s3+$0x1020] =	vst v4;
	v4 =	vand.u32 $0x1FFF, v2  }
0x5d: {  	v21 =	vld [tilespmem:s3+$0x50];
	v23 =	vadd.s32 v1, v24;
	v2 =	vsel vm0, v2, v4;
	v4 =	vmul.u32 $0x2710, v7  }
0x5e: {  	v22 =	vld [tilespmem:s3+$0x60];
	v8 =	vmul.u32 $0x2710, v8;
	v7 =	vadd.s32 v10, v23;
	v10 =	vadd.s32 v1, v12  }
0x5f: {  	v23 =	vld [tilespmem:s2+$0x400];
	vm0 =	vlt.u32 v7, $0x2C00;
	[tilespmem:s3+$0x1420] =	vst v2;
	v2 =	vand.u32 $0x1FFF, v7;
	v4 =	vadd.s32 v4, v10  }
0x60: {  	v11 =	vld [tilespmem:s3+$0x70];
	v3 =	vmul.u32 $0x2710, v3;
	v2 =	vsel vm0, v7, v2;
	vm2 =	vlt.u32 v4, $0x2C00  }
0x61: {  	v9 =	vmul.u32 $0x2710, v9;
	v12 =	vadd.s32 v1, v15;
	v7 =	vld [tilespmem:s2+$0x410];
	[tilespmem:s2+$0x1470] =	vst v2;
	v2 =	vnsel vm2, $0x2710, v19  }
0x62: {  	v15 =	vmul.u32 $0x2710, v17;
	v3 =	vadd.s32 v3, v12;
	v10 =	vadd.s32 v1, v13;
	v19 =	vld [tilespmem:s2+$0x420];
	[tilespmem:s3+$0xC30] =	vst v2  }
0x63: {  	vm3 =	vlt.u32 v3, $0x2C00;
	v8 =	vadd.s32 v8, v10;
	v61 =	vld [tilespmem:s2+$0x430];
	[tilespmem:s3+$0x1030] =	vst v2;
	v2 =	vand.u32 $0x1FFF, v4  }
0x64: {  	v12 =	vand.u32 $0x1FFF, v3;
	v2 =	vsel vm2, v4, v2;
	vm2 =	vlt.u32 v8, $0x2C00  }
0x65: {  	v10 =	vadd.s32 v1, v14;
	v28 =	vsel vm3, v3, v12;
	v4 =	vld [tilespmem:s2+$0x440];
	[tilespmem:s3+$0x1430] =	vst v2;
	v2 =	vnsel vm2, $0x2710, v20  }
0x66: {  	v3 =	vmul.u32 $0x2710, v25;
	v62 =	vmul.u32 $0x2710, v6;
	v9 =	vadd.s32 v9, v10;
	v13 =	vld [tilespmem:s2+$0x450];
	[tilespmem:s3+$0xC40] =	vst v2  }
0x67: {  	v18 =	vmul.u32 $0x2710, v18;
	v6 =	vadd.s32 v1, v23;
	v27 =	vld [tilespmem:s2+$0x460];
	[tilespmem:s3+$0x1040] =	vst v2;
	v2 =	vand.u32 $0x1FFF, v8  }
0x68: {  	v17 =	vadd.s32 v3, v6;
	v3 =	vadd.s32 v1, v7;
	v2 =	vsel vm2, v8, v2  }
0x69: {  	v20 =	vand.u32 $0x1FFF, v17;
	v10 =	vld [tilespmem:s2+$0x0];
	vm2 =	vlt.u32 v9, $0x2C00;
	[tilespmem:s3+$0x1440] =	vst v2;
	v2 =	vand.u32 $0x1FFF, v9  }
0x6a: {  	v9 =	vsel vm2, v9, v2;
	v2 =	vnsel vm1, $0x2710, v11;
	v11 =	vmul.u32 $0x2710, v16  }
0x6b: {  	v14 =	vnsel vm2, $0x2710, v21;
	v21 =	vnsel vm3, $0x2710, v22;
	v22 =	vmul.u32 $0x2710, v26  }
0x6c: {  	v8 =	vld [tilespmem:s2+$0x10];
	[tilespmem:s3+$0xC50] =	vst v14;
	vm1 =	vlt.u32 v17, $0x2C00;
	v16 =	vadd.s32 v11, v3;
	v3 =	vadd.s32 v1, v19  }
0x6d: {  	v12 =	vld [tilespmem:s2+$0x20];
	[tilespmem:s3+$0x1050] =	vst v14;
	v14 =	vmul.u32 $0x2710, v5;
	v15 =	vadd.s32 v15, v3;
	v3 =	vadd.s32 v1, v61  }
0x6e: {  	v5 =	vld [tilespmem:s2+$0x30];
	[tilespmem:s3+$0x1450] =	vst v9;
	vm5 =	vlt.u32 v16, $0x2C00;
	v9 =	vadd.s32 v22, v3;
	v3 =	vadd.s32 v1, v4  }
0x6f: {  	v22 =	vand.u32 $0x1FFF, v16;
	vm7 =	vlt.u32 v15, $0x2C00;
	v4 =	vadd.s32 v1, v27  }
0x70: {  	v7 =	vld [tilespmem:s2+$0x40];
	[tilespmem:s3+$0xC60] =	vst v21;
	v23 =	vand.u32 $0x1FFF, v15;
	v6 =	vadd.s32 v14, v3;
	v3 =	vadd.s32 v1, v13  }
0x71: {  	v11 =	vld [tilespmem:s2+$0x50];
	[tilespmem:s3+$0x1060] =	vst v21;
	vm6 =	vlt.u32 v9, $0x2C00;
	v4 =	vadd.s32 v18, v4;
	v21 =	vand.u32 $0x1FFF, v9  }
0x72: {  	v14 =	vld [tilespmem:s2+$0x60];
	[tilespmem:s3+$0x1460] =	vst v28;
	v3 =	vadd.s32 v62, v3;
	vm4 =	vlt.u32 v6, $0x2C00;
	v19 =	vand.u32 $0x1FFF, v6  }
0x73: {  	s8 =	simm.s32 $0x100;
	s9 =	simm.s32 $0x600;
	v13 =	vld [tilespmem:s2+$0x70];
	vm2 =	vlt.u32 v4, $0x2C00;
	[tilespmem:s3+$0xC70] =	vst v2;
	vm3 =	vlt.u32 v3, $0x2C00;
	v18 =	vand.u32 $0x1FFF, v3  }
.LBB2_8:
0x74: {  	p0 =	sne.s32 s9, $0xE00;
	v24 =	vld [tilespmem:s8+$0x870];
	v10 =	vnsel vm1, $0x2710, v10;
	v17 =	vsel vm1, v17, v20;
	v20 =	vand.u32 $0x1FFF, v4;
	[tilespmem:s3+$0x1070] =	vst v2;
	s3 =	smov.u32 s2;
	s2 =	smov.u32 s8  }
0x75: {  	v2 =	vnsel vm5, $0x2710, v8;
	v8 =	vsel vm5, v16, v22;
	v12 =	vnsel vm7, $0x2710, v12;
	v25 =	vld [tilespmem:s2+$0x470];
	[tilespmem:s3+$0xC00] =	vst v10  }
0x76: {  	v5 =	vnsel vm6, $0x2710, v5;
	v9 =	vsel vm6, v9, v21;
	v16 =	vld [tilespmem:s2+$0x800];
	[tilespmem:s3+$0x1000] =	vst v10;
	v10 =	vsel vm7, v15, v23  }
0x77: {  	v6 =	vsel vm4, v6, v19;
	v7 =	vnsel vm4, $0x2710, v7;
	v11 =	vnsel vm3, $0x2710, v11;
	v15 =	vld [tilespmem:s2+$0x810];
	[tilespmem:s3+$0x1400] =	vst v17  }
0x78: {  	v3 =	vsel vm3, v3, v18;
	v18 =	vsel vm2, v4, v20;
	v14 =	vnsel vm2, $0x2710, v14;
	v17 =	vld [tilespmem:s2+$0x820];
	[tilespmem:s3+$0xC10] =	vst v2  }
0x79: {  	v4 =	vld [tilespmem:s2+$0x830];
	v19 =	vmul.u32 $0x2710, v24;
	[tilespmem:s3+$0x1010] =	vst v2;
	v2 =	vnsel vm0, $0x2710, v13  }
0x7a: {  	v13 =	vld [tilespmem:s2+$0x840];
	v20 =	vadd.s32 v1, v25;
	[tilespmem:s3+$0x1410] =	vst v8  }
0x7b: {  	v8 =	vmul.u32 $0x2710, v16;
	v16 =	vld [tilespmem:s2+$0x850];
	v19 =	vadd.s32 v19, v20;
	[tilespmem:s3+$0xC20] =	vst v12  }
0x7c: {  	v15 =	vmul.u32 $0x2710, v15;
	v20 =	vld [tilespmem:s2+$0x860];
	vm0 =	vlt.u32 v19, $0x2C00;
	v21 =	vand.u32 $0x1FFF, v19;
	[tilespmem:s3+$0x1020] =	vst v12  }
0x7d: {  	v12 =	vld [tilespmem:s2+$0x400];
	v22 =	vmul.u32 $0x2710, v17;
	v17 =	vsel vm0, v19, v21;
	[tilespmem:s3+$0x1420] =	vst v10  }
0x7e: {  	v10 =	vld [tilespmem:s2+$0x410];
	v4 =	vmul.u32 $0x2710, v4;
	[tilespmem:s2+$0x1470] =	vst v17  }
0x7f: {  	v19 =	vld [tilespmem:s2+$0x420];
	v13 =	vmul.u32 $0x2710, v13;
	[tilespmem:s3+$0xC30] =	vst v5  }
0x80: {  	v21 =	vld [tilespmem:s2+$0x430];
	v23 =	vmul.u32 $0x2710, v16;
	[tilespmem:s3+$0x1030] =	vst v5  }
0x81: {  	v5 =	vld [tilespmem:s2+$0x440];
	v24 =	vmul.u32 $0x2710, v20;
	[tilespmem:s3+$0x1430] =	vst v9  }
0x82: {  	v9 =	vadd.s32 v1, v12;
	v25 =	vld [tilespmem:s2+$0x450];
	[tilespmem:s3+$0xC40] =	vst v7  }
0x83: {  	v17 =	vadd.s32 v8, v9;
	v8 =	vadd.s32 v1, v10;
	v26 =	vld [tilespmem:s2+$0x460];
	[tilespmem:s3+$0x1040] =	vst v7  }
0x84: {  	v10 =	vld [tilespmem:s2+$0x0];
	vm1 =	vlt.u32 v17, $0x2C00;
	v16 =	vadd.s32 v15, v8;
	v7 =	vadd.s32 v1, v19;
	[tilespmem:s3+$0x1440] =	vst v6  }
0x85: {  	v20 =	vand.u32 $0x1FFF, v17;
	v8 =	vld [tilespmem:s2+$0x10];
	v15 =	vadd.s32 v22, v7;
	v6 =	vadd.s32 v1, v21;
	[tilespmem:s3+$0xC50] =	vst v11  }
0x86: {  	vm5 =	vlt.u32 v16, $0x2C00;
	v12 =	vld [tilespmem:s2+$0x20];
	v9 =	vadd.s32 v4, v6;
	v4 =	vadd.s32 v1, v5;
	[tilespmem:s3+$0x1050] =	vst v11  }
.Ltmp2:
0x87: {  	v22 =	vand.u32 $0x1FFF, v16;
	v5 =	vld [tilespmem:s2+$0x30];
	v6 =	vadd.s32 v13, v4;
	v4 =	vadd.s32 v1, v25;
	[tilespmem:s3+$0x1450] =	vst v3;
	(pc) =	sbr.rel @p0 .LBB2_8-.Ltmp2, $4  }
0x88: {  	vm7 =	vlt.u32 v15, $0x2C00;
	v7 =	vld [tilespmem:s2+$0x40];
	v3 =	vadd.s32 v23, v4;
	v4 =	vadd.s32 v1, v26;
	[tilespmem:s3+$0xC60] =	vst v14  }
0x89: {  	vm6 =	vlt.u32 v9, $0x2C00;
	v23 =	vand.u32 $0x1FFF, v15;
	v11 =	vld [tilespmem:s2+$0x50];
	v4 =	vadd.s32 v24, v4;
	[tilespmem:s3+$0x1060] =	vst v14  }
0x8a: {  	v21 =	vand.u32 $0x1FFF, v9;
	vm4 =	vlt.u32 v6, $0x2C00;
	v19 =	vand.u32 $0x1FFF, v6;
	v14 =	vld [tilespmem:s2+$0x60];
	[tilespmem:s3+$0x1460] =	vst v18  }
0x8b: {  	s8 =	sshra.s32 s9, $0x2;
	s9 =	sadd.s32 $0x200, s9;
	vm3 =	vlt.u32 v3, $0x2C00;
	v18 =	vand.u32 $0x1FFF, v3;
	vm2 =	vlt.u32 v4, $0x2C00;
	v13 =	vld [tilespmem:s2+$0x70];
	[tilespmem:s3+$0xC70] =	vst v2  }
0x8c: {  	v24 =	vld [tilespmem:s8+$0x870];
	[tilespmem:s3+$0x1070] =	vst v2;
	v2 =	vnsel vm1, $0x2710, v10  }
0x8d: {  	v55 =	vld [tilespmem:s8+$0x470];
	[tilespmem:s2+$0xC00] =	vst v2  }
0x8e: {  	v25 =	vld [tilespmem:s8+$0x800];
	[tilespmem:s2+$0x1000] =	vst v2;
	v2 =	vsel vm1, v17, v20  }
0x8f: {  	v56 =	vld [tilespmem:s8+$0x810];
	[tilespmem:s2+$0x1400] =	vst v2;
	v2 =	vnsel vm5, $0x2710, v8  }
0x90: {  	v57 =	vld [tilespmem:s8+$0x820];
	[tilespmem:s2+$0xC10] =	vst v2  }
0x91: {  	v58 =	vld [tilespmem:s8+$0x830];
	[tilespmem:s2+$0x1010] =	vst v2;
	v2 =	vsel vm5, v16, v22  }
0x92: {  	v59 =	vld [tilespmem:s8+$0x840];
	[tilespmem:s2+$0x1410] =	vst v2;
	v2 =	vnsel vm7, $0x2710, v12  }
0x93: {  	v61 =	vmul.u32 $0x2710, v24;
	v60 =	vld [tilespmem:s8+$0x850];
	[tilespmem:s2+$0xC20] =	vst v2  }
0x94: {  	v62 =	vld [tilespmem:s8+$0x860];
	[tilespmem:s2+$0x1020] =	vst v2;
	v2 =	vadd.s32 v1, v55  }
0x95: {  	v2 =	vadd.s32 v61, v2  }
0x96: {  	v28 =	vsel vm7, v15, v23;
	vm8 =	vlt.u32 v2, $0x2C00;
	v22 =	vand.u32 $0x1FFF, v2  }
0x97: {  	v29 =	vld [tilespmem:s8+$0x400];
	[tilespmem:s2+$0x1420] =	vst v28;
	v2 =	vsel vm8, v2, v22  }
0x98: {  	v10 =	vld [tilespmem:s8+$0x410];
	[tilespmem:s8+$0x1470] =	vst v2;
	v2 =	vnsel vm6, $0x2710, v5  }
0x99: {  	v30 =	vld [tilespmem:s8+$0x420];
	[tilespmem:s2+$0xC30] =	vst v2  }
0x9a: {  	v31 =	vld [tilespmem:s8+$0x430];
	[tilespmem:s2+$0x1030] =	vst v2;
	v2 =	vsel vm6, v9, v21  }
0x9b: {  	v32 =	vld [tilespmem:s8+$0x440];
	[tilespmem:s2+$0x1430] =	vst v2;
	v2 =	vnsel vm4, $0x2710, v7  }
0x9c: {  	v33 =	vld [tilespmem:s8+$0x450];
	[tilespmem:s2+$0xC40] =	vst v2  }
0x9d: {  	v34 =	vld [tilespmem:s8+$0x460];
	[tilespmem:s2+$0x1040] =	vst v2;
	v2 =	vsel vm4, v6, v19  }
0x9e: {  	v35 =	vld [tilespmem:s8+$0x0];
	[tilespmem:s2+$0x1440] =	vst v2;
	v2 =	vnsel vm3, $0x2710, v11  }
0x9f: {  	v36 =	vld [tilespmem:s8+$0x10];
	[tilespmem:s2+$0xC50] =	vst v2  }
0xa0: {  	v37 =	vld [tilespmem:s8+$0x20];
	[tilespmem:s2+$0x1050] =	vst v2;
	v2 =	vsel vm3, v3, v18  }
0xa1: {  	v3 =	vld [tilespmem:s8+$0x30];
	[tilespmem:s2+$0x1450] =	vst v2;
	v2 =	vnsel vm2, $0x2710, v14  }
0xa2: {  	v38 =	vld [tilespmem:s8+$0x40];
	[tilespmem:s2+$0xC60] =	vst v2  }
0xa3: {  	v40 =	vmul.u32 $0x2710, v25;
	v39 =	vld [tilespmem:s8+$0x50];
	[tilespmem:s2+$0x1060] =	vst v2;
	v2 =	vand.u32 $0x1FFF, v4  }
0xa4: {  	v15 =	vadd.s32 v1, v29;
	v2 =	vsel vm2, v4, v2  }
0xa5: {  	v41 =	vld [tilespmem:s8+$0x60];
	v4 =	vadd.s32 v40, v15;
	[tilespmem:s2+$0x1460] =	vst v2;
	v2 =	vnsel vm0, $0x2710, v13  }
0xa6: {  	v8 =	vmul.u32 $0x2710, v57;
	vm9 =	vlt.u32 v4, $0x2C00;
	v42 =	vld [tilespmem:s8+$0x70];
	[tilespmem:s2+$0xC70] =	vst v2  }
0xa7: {  	v5 =	vadd.s32 v1, v30;
	v6 =	vnsel vm9, $0x2710, v35;
	[tilespmem:s2+$0x1070] =	vst v2  }
0xa8: {  	v43 =	vmul.u32 $0x2710, v56;
	v46 =	vadd.s32 v8, v5;
	v44 =	vand.u32 $0x1FFF, v4;
	[tilespmem:s8+$0xC00] =	vst v6  }
0xa9: {  	v52 =	vmul.u32 $0x2710, v59;
	vm11 =	vlt.u32 v46, $0x2C00;
	v4 =	vsel vm9, v4, v44;
	[tilespmem:s8+$0x1000] =	vst v6  }
0xaa: {  	v48 =	vmul.u32 $0x2710, v58;
	v53 =	vadd.s32 v1, v32;
	v50 =	vnsel vm11, $0x2710, v37;
	[tilespmem:s8+$0x1400] =	vst v4  }
0xab: {  	v10 =	vadd.s32 v1, v10;
	v51 =	vand.u32 $0x1FFF, v46;
	v54 =	vadd.s32 v52, v53;
	[tilespmem:s8+$0xC20] =	vst v50  }
0xac: {  	vm13 =	vlt.u32 v54, $0x2C00;
	v2 =	vadd.s32 v43, v10;
	v4 =	vsel vm11, v46, v51;
	[tilespmem:s8+$0x1020] =	vst v50  }
0xad: {  	vm10 =	vlt.u32 v2, $0x2C00;
	v47 =	vand.u32 $0x1FFF, v2;
	v57 =	vnsel vm13, $0x2710, v38;
	[tilespmem:s8+$0x1420] =	vst v4  }
0xae: {  	v49 =	vadd.s32 v1, v31;
	v2 =	vsel vm10, v2, v47;
	[tilespmem:s8+$0xC40] =	vst v57  }
0xaf: {  	[tilespmem:s8+$0x1410] =	vst v2;
	v2 =	vadd.s32 v48, v49  }
0xb0: {  	v45 =	vnsel vm10, $0x2710, v36;
	[tilespmem:s8+$0x1040] =	vst v57;
	vm12 =	vlt.u32 v2, $0x2C00  }
0xb1: {  	[tilespmem:s8+$0xC10] =	vst v45;
	v3 =	vnsel vm12, $0x2710, v3  }
0xb2: {  	v56 =	vmul.u32 $0x2710, v60;
	v55 =	vand.u32 $0x1FFF, v2;
	[tilespmem:s8+$0xC30] =	vst v3  }
0xb3: {  	v2 =	vsel vm12, v2, v55;
	[tilespmem:s8+$0x1030] =	vst v3;
	v3 =	vadd.s32 v1, v33  }
0xb4: {  	[tilespmem:s8+$0x1430] =	vst v2;
	v2 =	vadd.s32 v56, v3;
	v3 =	vand.u32 $0x1FFF, v54  }
0xb5: {  	v58 =	vmul.u32 $0x2710, v62;
	[tilespmem:s8+$0x1010] =	vst v45;
	vm14 =	vlt.u32 v2, $0x2C00;
	v3 =	vsel vm13, v54, v3  }
0xb6: {  	v59 =	vadd.s32 v1, v34;
	v60 =	vnsel vm14, $0x2710, v39;
	[tilespmem:s8+$0x1440] =	vst v3  }
0xb7: {  	v61 =	vand.u32 $0x1FFF, v2;
	v3 =	vadd.s32 v58, v59;
	[tilespmem:s8+$0xC50] =	vst v60  }
0xb8: {  	v2 =	vsel vm14, v2, v61;
	vm15 =	vlt.u32 v3, $0x2C00;
	[tilespmem:s8+$0x1050] =	vst v60  }
0xb9: {  	[tilespmem:s8+$0x1450] =	vst v2;
	v62 =	vnsel vm15, $0x2710, v41  }
0xba: {  	v2 =	vand.u32 $0x1FFF, v3;
	[tilespmem:s8+$0xC60] =	vst v62  }
0xbb: {  	v2 =	vsel vm15, v3, v2;
	[tilespmem:s8+$0x1060] =	vst v62  }
0xbc: {  	v3 =	vnsel vm8, $0x2710, v42;
	[tilespmem:s8+$0x1460] =	vst v2  }
0xbd: {  	[tilespmem:s8+$0xC70] =	vst v3  }
0xbe: {  	[tilespmem:s8+$0x1070] =	vst v3  }
0xbf: {  	[tilespmem:s19], [sflag:$0x1] =	stream.indirect.gather [hbm4b:s1+s17], $0x80, s18, s17, $0xb8;
	v63 =	vld [tilespmem:$0x0]  }
0xc0: {  	_ = 	snop  }
0xc1: {  	[tilespmem:s21], [sflag:$0x1] =	stream.indirect.gather [hbm4b:s1+s17], $0x80, s20, s17, $0xb8;
	v63 =	vld [tilespmem:$0x0]  }
0xc2: {  	_ =	swait.ge [sflag:s22], $0x4000  }
0xc3: {  	[sflag:s22] =	ssyncset.done $0x0  }
0xc4: {  	[sflag:s22] =	ssyncadd.s32 $0xFFFFC000  }
0xc5: {  	_ =	swait.ge [sflag:s22], $0x4000  }
0xc6: {  	[sflag:s22] =	ssyncset.done $0x0  }
0xc7: {  	[sflag:s22] =	ssyncadd.s32 $0xFFFFC000  }
0xc8: {  	[tilespmem:s19], [sflag:$0x1] =	stream.indirect.gather [hbm4b:s1+s17], $0x80, s23, s17, $0xb8;
	v63 =	vld [tilespmem:$0x0]  }
0xc9: {  	_ = 	snop  }
0xca: {  	[tilespmem:s21], [sflag:$0x1] =	stream.indirect.gather [hbm4b:s1+s17], $0x80, s24, s17, $0xb8;
	v63 =	vld [tilespmem:$0x0]  }
0xcb: {  	_ =	swait.ge [sflag:s22], $0x4000  }
0xcc: {  	[sflag:s22] =	ssyncset.done $0x0  }
0xcd: {  	[sflag:s22] =	ssyncadd.s32 $0xFFFFC000  }
0xce: {  	_ =	swait.ge [sflag:s22], $0x4000  }
0xcf: {  	[sflag:s22] =	ssyncset.done $0x0  }
0xd0: {  	[sflag:s22] =	ssyncadd.s32 $0xFFFFC000  }
0xd1: {  	[tilespmem:s19], [sflag:$0x1] =	stream.indirect.gather [hbm4b:s1+s17], $0x80, s25, s17, $0xb8;
	v63 =	vld [tilespmem:$0x0]  }
0xd2: {  	_ = 	snop  }
0xd3: {  	[tilespmem:s21], [sflag:$0x1] =	stream.indirect.gather [hbm4b:s1+s17], $0x80, s26, s17, $0xb8;
	v63 =	vld [tilespmem:$0x0]  }
0xd4: {  	_ =	swait.ge [sflag:s22], $0x4000  }
0xd5: {  	[sflag:s22] =	ssyncset.done $0x0  }
0xd6: {  	[sflag:s22] =	ssyncadd.s32 $0xFFFFC000  }
0xd7: {  	_ =	swait.ge [sflag:s22], $0x4000  }
0xd8: {  	[sflag:s22] =	ssyncset.done $0x0  }
0xd9: {  	[sflag:s22] =	ssyncadd.s32 $0xFFFFC000  }
0xda: {  	[tilespmem:s19], [sflag:$0x1] =	stream.indirect.gather [hbm4b:s1+s17], $0x80, s28, s17, $0xb8;
	v63 =	vld [tilespmem:$0x0]  }
0xdb: {  	s12 =	sadd.s32 $0x1, s12  }
0xdc: {  	[tilespmem:s21], [sflag:$0x1] =	stream.indirect.gather [hbm4b:s1+s17], $0x80, s29, s17, $0xb8;
	v63 =	vld [tilespmem:$0x0]  }
0xdd: {  	p0 =	sne.s32 s12, $0x14;
	_ =	swait.ge [sflag:s22], $0x4000  }
.Ltmp3:
0xde: {  	[sflag:s22] =	ssyncset.done $0x0;
	(pc) =	sbr.rel @p0 .LBB2_7-.Ltmp3, $4  }
0xdf: {  	[sflag:s22] =	ssyncadd.s32 $0xFFFFC000  }
0xe0: {  	_ =	swait.ge [sflag:s22], $0x4000  }
0xe1: {  	[sflag:s22] =	ssyncset.done $0x0  }
0xe2: {  	[sflag:s22] =	ssyncadd.s32 $0xFFFFC000  }
0xe3: {  	s0 =	rddreg [dreg:$0x6];
	[bflag:$0x0] =	sbarrier.arrive $0xFFFF;
	s2 =	stileid.u32  }
0xe4: {  	s30 =	sadd.s32 $0x1, s30;
	s0 =	sadd.s32 s0, s31;
	s2 =	sshll.u32 s2, $0x6  }
0xe5: {  	s3 =	rddreg [dreg:$0x5];
	s31 =	sshrl.u32 s11, $0x3;
	s0 =	sshll.u32 s0, $0x4  }
0xe6: {  	p0 =	sne.s32 s30, $0x4;
	s2 =	sor.u32 $0x1C02, s2;
	s0 =	sadd.s32 s3, s0  }
0xe7: {  	[hbm:s0], [sflag:s2] =	dma.local [spmem:s31], $0x2C00  }
.Ltmp4:
0xe8: {  	_ =	swait.ge [sflag:s14], $0x2C00;
	(pc) =	sbr.rel @p0 .LBB2_4-.Ltmp4, $3  }
0xe9: {  	[sflag:s14] =	ssyncset.done $0x0  }
0xea: {  	[sflag:s14] =	ssyncadd.s32 $0xFFFFD400  }
0xeb: {  	[bflag:$0x0] =	sbarrier.arrive $0xFFFF;
	_ =	sdelay $0x1  }
0xec: {  	s12 =	rddreg [dreg:$0x4]  }
0xed: {  	s0 =	rddreg [dreg:$0x7];
	s12 =	sadd.s32 $0x1, s12  }
0xee: {  	p0 =	sne.s32 s12, s0  }
.Ltmp5:
0xef: {  	_ = 	snop;
	(pc) =	sbr.rel @p0 .LBB2_1-.Ltmp5, $1  }
0xf0: {  	_ =	sdelay $0x3  }
0xf1: {  	_ =	sfence.sel $0x180000  }
0xf2: {  	[bflag:$0x0] =	sbarrier.arrive $0xFFFF  }
0xf3: {  	_ =	strace $0x90000047  }
0xf4: {  	s0 =	stileid.u32;
	[bflag:$0x2] =	sbarrier.arrive $0xFFFF  }
0xf5: {  	p0 =	sne.s32 s0, $0x0;
	s0 =	rddreg [dreg:$0x3]  }
0xf6: {  	s0 =	sadd.s32 @!p0 $0x100000, s0  }
0xf7: {  	[sflag:s0] =	ssyncadd.tile.s32 @!p0 $0x1;
	_ =	shalt  }
.Lfunc_end2:
_tile_overlayer_lowered:
.L_overlay_start_2:
0xf8: {  	(tag) =	ssettag $0x2  }
0xf9: {  	s0 =	rddreg [dreg:$0x0];
	s2 =	stileid.u32  }
0xfa: {  	s1 =	rddreg [dreg:$0x1];
	p0 =	sne.s32 s2, $0x0  }
0xfb: {  	s3 =	rddreg [dreg:$0x2];
	[bflag:$0x3] =	sbarrier.arrive $0xFFFF;
	s2 =	simm.s32 @!p0 $0x1C02  }
0xfc: {  	[timem:s3], [sflag:s2] =	dma.local @!p0 [hbm:s0], s1  }
0xfd: {  	s0 =	simm.s32 @!p0 $0x2  }
0xfe: {  	_ =	swait.ge @!p0 [sflag:s0], s1  }
0xff: {  	s1 =	ssub.s32 @!p0 $0x0, s1;
	[sflag:s0] =	ssyncset.done @!p0 $0x0  }
0x100: {  	[sflag:s0] =	ssyncadd.s32 @!p0 s1  }
0x101: {  	[bflag:$0x3] =	sbarrier.arrive $0xFFFF  }
0x102: {  	_ =	shalt  }

</sc_bundles>
